<compile_context>
chip_gen: v7x
topology: tpu7x:2x2x1
jax: 0.10.2.dev20260603
libtpu: 0.0.44.dev20260713+nightly
codegen_flags: <defaults>
</compile_context>

<pallas_src>
import functools

import jax
import jax.numpy as jnp
from jax import lax
from jax.experimental import pallas as pl
from jax.experimental.pallas import tpu as pltpu
from jax.experimental.pallas import tpu_sc as plsc

B, N, D = 4, 2048, 128
S = 256
K = 32
OUT = 256
EPS = 1e-5
POS = B * S * K
BIG = 3e38


def _fps_kernel(ct_ref, fps_ref):
    xs = ct_ref[:, 0, :]
    ys = ct_ref[:, 1, :]
    zs = ct_ref[:, 2, :]
    nslc = N // 128
    xsl = [xs[:, j * 128:(j + 1) * 128] for j in range(nslc)]
    ysl = [ys[:, j * 128:(j + 1) * 128] for j in range(nslc)]
    zsl = [zs[:, j * 128:(j + 1) * 128] for j in range(nslc)]
    lane = lax.broadcasted_iota(jnp.int32, (B, 128), 1)
    isl = [lane + j * 128 for j in range(nslc)]

    def body(i, carry):
        dists, far, cx, cy, cz = carry
        for b in range(B):
            fps_ref[b, i] = far[b, 0]
        d = ((xs - cx) ** 2 + (ys - cy) ** 2) + (zs - cz) ** 2
        dists = jnp.minimum(dists, d)
        tv = [dists[:, j * 128:(j + 1) * 128] for j in range(nslc)]
        ti, tx, ty, tz = list(isl), list(xsl), list(ysl), list(zsl)
        while len(tv) > 1:
            nv, ni, nx, ny, nz = [], [], [], [], []
            for a in range(0, len(tv), 2):
                take = tv[a + 1] > tv[a]
                nv.append(jnp.where(take, tv[a + 1], tv[a]))
                ni.append(jnp.where(take, ti[a + 1], ti[a]))
                nx.append(jnp.where(take, tx[a + 1], tx[a]))
                ny.append(jnp.where(take, ty[a + 1], ty[a]))
                nz.append(jnp.where(take, tz[a + 1], tz[a]))
            tv, ti, tx, ty, tz = nv, ni, nx, ny, nz
        v0, i0, x0, y0, z0 = tv[0], ti[0], tx[0], ty[0], tz[0]
        m = jnp.max(v0, axis=1, keepdims=True)
        far = jnp.min(jnp.where(v0 == m, i0, N), axis=1, keepdims=True)
        sel = i0 == far
        cx = jnp.min(jnp.where(sel, x0, BIG), axis=1, keepdims=True)
        cy = jnp.min(jnp.where(sel, y0, BIG), axis=1, keepdims=True)
        cz = jnp.min(jnp.where(sel, z0, BIG), axis=1, keepdims=True)
        return dists, far.astype(jnp.int32), cx, cy, cz

    dists0 = jnp.full((B, N), 1e10, dtype=jnp.float32)
    far0 = jnp.zeros((B, 1), dtype=jnp.int32)
    cx0 = xs[:, 0:1]
    cy0 = ys[:, 0:1]
    cz0 = zs[:, 0:1]
    lax.fori_loop(0, S, body, (dists0, far0, cx0, cy0, cz0))


def _run_fps(coords_t):
    return pl.pallas_call(
        _fps_kernel,
        out_shape=jax.ShapeDtypeStruct((B, S), jnp.int32),
        out_specs=pl.BlockSpec(memory_space=pltpu.SMEM),
    )(coords_t)


def _knn_kernel(ct_ref, fps_ref, knn_ref, nxs_ref, d2_ref):
    iota = lax.broadcasted_iota(jnp.int32, (S, N), 1)
    fv = fps_ref[0]

    onehot = (fv == iota).astype(jnp.float32)
    pts = ct_ref[0]
    nxs = lax.dot_general(onehot, pts, (((1,), (1,)), ((), ())),
                          precision=lax.Precision.HIGHEST,
                          preferred_element_type=jnp.float32)
    nxs_ref[0] = nxs

    px = ct_ref[0, 0, :][None, :]
    py = ct_ref[0, 1, :][None, :]
    pz = ct_ref[0, 2, :][None, :]
    cx = nxs[:, 0:1]
    cy = nxs[:, 1:2]
    cz = nxs[:, 2:3]

    cross = jnp.dot(nxs, ct_ref[0], preferred_element_type=jnp.float32)
    sp = (px * px + py * py) + pz * pz
    sc = (cx * cx + cy * cy) + cz * cz
    d2_ref[...] = (sc + sp) - 2.0 * cross

    iota_k = lax.broadcasted_iota(jnp.int32, (S, K), 1)

    def body(j, knn_acc):
        d2 = d2_ref[...]
        m = jnp.min(d2, axis=1, keepdims=True)
        idx = jnp.min(jnp.where(d2 == m, iota, N), axis=1, keepdims=True)
        knn_acc = jnp.where(iota_k == j, idx.astype(jnp.int32), knn_acc)
        d2_ref[...] = jnp.where(iota == idx, BIG, d2)
        return knn_acc

    knn_acc = lax.fori_loop(0, K, body, jnp.zeros((S, K), jnp.int32))
    knn_ref[0] = knn_acc


def _run_knn(coords_t, fps3):
    return pl.pallas_call(
        _knn_kernel,
        grid=(B,),
        in_specs=[
            pl.BlockSpec((1, 3, N), lambda b: (b, 0, 0)),
            pl.BlockSpec((1, S, 1), lambda b: (b, 0, 0)),
        ],
        out_specs=(
            pl.BlockSpec((1, S, K), lambda b: (b, 0, 0)),
            pl.BlockSpec((1, S, 3), lambda b: (b, 0, 0)),
        ),
        out_shape=(
            jax.ShapeDtypeStruct((B, S, K), jnp.int32),
            jax.ShapeDtypeStruct((B, S, 3), jnp.float32),
        ),
        scratch_shapes=[pltpu.VMEM((S, N), jnp.float32)],
    )(coords_t, fps3)


_SC_CORES = 2
_SC_SUBCORES = 16
_NW = _SC_CORES * _SC_SUBCORES
_G_PER_W = POS // _NW
_C_PER_W = (B * S) // _NW
_G_CHUNK = 256


def _sc_gather_body(tab_hbm, gidx_hbm, cidx_hbm, g_out, c_out,
                    idx_v, rows_v, cidx_v, crows_v, sem):
    wid = lax.axis_index("s") * _SC_CORES + lax.axis_index("c")
    gbase = wid * _G_PER_W
    for ch in range(_G_PER_W // _G_CHUNK):
        base = gbase + ch * _G_CHUNK
        pltpu.sync_copy(gidx_hbm.at[pl.ds(base, _G_CHUNK)], idx_v)
        pltpu.async_copy(tab_hbm.at[idx_v], rows_v, sem).wait()
        pltpu.sync_copy(rows_v, g_out.at[pl.ds(base, _G_CHUNK)])
    cbase = wid * _C_PER_W
    pltpu.sync_copy(cidx_hbm.at[pl.ds(cbase, _C_PER_W)], cidx_v)
    pltpu.async_copy(tab_hbm.at[cidx_v], crows_v, sem).wait()
    pltpu.sync_copy(crows_v, c_out.at[pl.ds(cbase, _C_PER_W)])


def _run_sc_gather(features_flat, gidx, cidx):
    mesh = plsc.VectorSubcoreMesh(core_axis_name="c", subcore_axis_name="s")
    fn = pl.kernel(
        _sc_gather_body,
        out_type=(
            jax.ShapeDtypeStruct((POS, D), jnp.float32),
            jax.ShapeDtypeStruct((B * S, D), jnp.float32),
        ),
        mesh=mesh,
        scratch_types=[
            pltpu.VMEM((_G_CHUNK,), jnp.int32),
            pltpu.VMEM((_G_CHUNK, D), jnp.float32),
            pltpu.VMEM((_C_PER_W,), jnp.int32),
            pltpu.VMEM((_C_PER_W, D), jnp.float32),
            pltpu.SemaphoreType.DMA,
        ],
    )
    return fn(features_flat, gidx, cidx)


_CHUNK_P = 2048
_CHUNK_C = _CHUNK_P // K
_NSTEP1 = POS // _CHUNK_P


def _conv1_kernel(g_ref, c_ref, w1t_ref, h1_ref, st_ref):
    pid = pl.program_id(0)
    u = w1t_ref[0:D, :]
    v = w1t_ref[D:2 * D, :]
    cdiff = v - u
    t = jnp.dot(c_ref[...], cdiff, preferred_element_type=jnp.float32)
    rsel = (lax.broadcasted_iota(jnp.int32, (_CHUNK_P, _CHUNK_C), 0) // K
            == lax.broadcasted_iota(jnp.int32, (_CHUNK_P, _CHUNK_C), 1))
    r = rsel.astype(jnp.float32)
    tb = jnp.dot(r, t, preferred_element_type=jnp.float32)
    gb = g_ref[...].astype(jnp.bfloat16)
    ub = u.astype(jnp.bfloat16)
    h = jnp.dot(gb, ub, preferred_element_type=jnp.float32) + tb
    h1_ref[...] = h

    @pl.when(pid == 0)
    def _():
        st_ref[...] = jnp.zeros_like(st_ref)

    st_ref[0:1, :] += jnp.sum(h, axis=0, keepdims=True)
    st_ref[1:2, :] += jnp.sum(h * h, axis=0, keepdims=True)


def _run_conv1(g, c, w1t):
    return pl.pallas_call(
        _conv1_kernel,
        grid=(_NSTEP1,),
        in_specs=[
            pl.BlockSpec((_CHUNK_P, D), lambda i: (i, 0)),
            pl.BlockSpec((_CHUNK_C, D), lambda i: (i, 0)),
            pl.BlockSpec((2 * D, OUT), lambda i: (0, 0)),
        ],
        out_specs=(
            pl.BlockSpec((_CHUNK_P, OUT), lambda i: (i, 0)),
            pl.BlockSpec((8, OUT), lambda i: (0, 0)),
        ),
        out_shape=(
            jax.ShapeDtypeStruct((POS, OUT), jnp.float32),
            jax.ShapeDtypeStruct((8, OUT), jnp.float32),
        ),
    )(g, c, w1t)


def _conv2_kernel(h1_ref, st1_ref, g1_ref, b1_ref, w2t_ref,
                  pmax_ref, pmin_ref, st2_ref):
    pid = pl.program_id(0)
    inv_n = jnp.float32(1.0 / POS)
    mean = st1_ref[0:1, :] * inv_n
    var = st1_ref[1:2, :] * inv_n - mean * mean
    scale = g1_ref[...] / jnp.sqrt(var + EPS)
    shift = b1_ref[...] - mean * scale
    a = jnp.maximum(h1_ref[...] * scale + shift, 0.0)
    h2 = jnp.dot(a.astype(jnp.bfloat16), w2t_ref[...].astype(jnp.bfloat16),
                 preferred_element_type=jnp.float32)

    @pl.when(pid == 0)
    def _():
        st2_ref[...] = jnp.zeros_like(st2_ref)

    st2_ref[0:1, :] += jnp.sum(h2, axis=0, keepdims=True)
    st2_ref[1:2, :] += jnp.sum(h2 * h2, axis=0, keepdims=True)

    h2r = h2.reshape(_CHUNK_C, K, OUT)
    pmax_ref[...] = jnp.max(h2r, axis=1)
    pmin_ref[...] = jnp.min(h2r, axis=1)


def _run_conv2(h1, st1, g1, b1, w2t):
    return pl.pallas_call(
        _conv2_kernel,
        grid=(_NSTEP1,),
        in_specs=[
            pl.BlockSpec((_CHUNK_P, OUT), lambda i: (i, 0)),
            pl.BlockSpec((8, OUT), lambda i: (0, 0)),
            pl.BlockSpec((1, OUT), lambda i: (0, 0)),
            pl.BlockSpec((1, OUT), lambda i: (0, 0)),
            pl.BlockSpec((OUT, OUT), lambda i: (0, 0)),
        ],
        out_specs=(
            pl.BlockSpec((_CHUNK_C, OUT), lambda i: (i, 0)),
            pl.BlockSpec((_CHUNK_C, OUT), lambda i: (i, 0)),
            pl.BlockSpec((8, OUT), lambda i: (0, 0)),
        ),
        out_shape=(
            jax.ShapeDtypeStruct((B * S, OUT), jnp.float32),
            jax.ShapeDtypeStruct((B * S, OUT), jnp.float32),
            jax.ShapeDtypeStruct((8, OUT), jnp.float32),
        ),
    )(h1, st1, g1, b1, w2t)


def _bn2_kernel(pmax_ref, pmin_ref, st2_ref, g2_ref, b2_ref, out_ref):
    inv_n = jnp.float32(1.0 / POS)
    mean = st2_ref[0:1, :] * inv_n
    var = st2_ref[1:2, :] * inv_n - mean * mean
    scale = g2_ref[...] / jnp.sqrt(var + EPS)
    shift = b2_ref[...] - mean * scale
    sel = jnp.where(scale >= 0.0, pmax_ref[...], pmin_ref[...])
    out_ref[...] = jnp.maximum(sel * scale + shift, 0.0)


def _run_bn2(pmax, pmin, st2, g2, b2):
    return pl.pallas_call(
        _bn2_kernel,
        out_shape=jax.ShapeDtypeStruct((B * S, OUT), jnp.float32),
    )(pmax, pmin, st2, g2, b2)


def kernel(x, coords, k, W1, W2, gamma1, beta1, gamma2, beta2):
    coords_t = jnp.transpose(coords, (0, 2, 1))
    features_flat = jnp.transpose(x, (0, 2, 1)).reshape(B * N, D)

    fps_idx = _run_fps(coords_t)
    knn_idx, new_xyz = _run_knn(coords_t, fps_idx[:, :, None])

    offs = (jnp.arange(B, dtype=jnp.int32) * N)
    gidx = (knn_idx + offs[:, None, None]).reshape(POS)
    cidx = (fps_idx + offs[:, None]).reshape(B * S)

    g, c = _run_sc_gather(features_flat, gidx, cidx)

    w1t = jnp.transpose(W1)
    w2t = jnp.transpose(W2)
    h1, st1 = _run_conv1(g, c, w1t)
    pmax, pmin, st2 = _run_conv2(h1, st1, gamma1[None, :], beta1[None, :], w2t)
    out_flat = _run_bn2(pmax, pmin, st2, gamma2[None, :], beta2[None, :])

    out = jnp.transpose(out_flat.reshape(B, S, OUT), (0, 2, 1))
    return new_xyz, out, fps_idx

# --- scband reference (transcript-rebuilt; emitter-appended) ---
"""Pipeline reference for scband-sg-14628658610720 (READ-ONLY COPY).

The authoritative reference and input builder live on the scoring server;
editing this copy changes nothing except your own understanding.
"""

import jax, jax.numpy as jnp
import numpy as np

B, N, D = 4, 2048, 128
IN_CH, OUT_CH, S = 256, 256, 256
EPS = 1e-5
K_KNN = 32

def setup_inputs(seed: int = 0):
    key = jax.random.key(seed)
    ks = jax.random.split(key, 6)
    x = jax.random.normal(ks[0], (B, D, N), dtype=jnp.float32)
    coords = jax.random.normal(ks[1], (B, N, 3), dtype=jnp.float32)
    W1 = jax.random.normal(ks[2], (OUT_CH, IN_CH), dtype=jnp.float32) / np.sqrt(IN_CH)
    W2 = jax.random.normal(ks[3], (OUT_CH, OUT_CH), dtype=jnp.float32) / np.sqrt(OUT_CH)
    gamma1 = jnp.ones((OUT_CH,), jnp.float32)
    beta1 = jnp.zeros((OUT_CH,), jnp.float32)
    gamma2 = jnp.ones((OUT_CH,), jnp.float32)
    beta2 = jnp.zeros((OUT_CH,), jnp.float32)
    return {"x": x, "coords": coords, "k": 32, "W1": W1, "W2": W2,
            "gamma1": gamma1, "beta1": beta1, "gamma2": gamma2, "beta2": beta2}

def farthest_point_sample(coords, s):
    b, n, _ = coords.shape
    def body(i, state):
        dists, farthest, idxs = state
        idxs = idxs.at[:, i].set(farthest)
        centroid = jnp.take_along_axis(coords, farthest[:, None, None], axis=1)
        d = jnp.sum((coords - centroid) ** 2, axis=-1)
        dists = jnp.minimum(dists, d)
        farthest = jnp.argmax(dists, axis=-1).astype(jnp.int32)
        return dists, farthest, idxs
    dists = jnp.full((b, n), 1e10, dtype=jnp.float32)
    farthest = jnp.zeros((b,), dtype=jnp.int32)
    idxs = jnp.zeros((b, s), dtype=jnp.int32)
    _, _, idxs = jax.lax.fori_loop(0, s, body, (dists, farthest, idxs))
    return idxs

def knn_indices(new_xyz, coords, k):
    d2 = (jnp.sum(new_xyz ** 2, -1)[:, :, None]
          + jnp.sum(coords ** 2, -1)[:, None, :]
          - 2.0 * jnp.einsum('bsd,bnd->bsn', new_xyz, coords))
    d2 = d2 + jnp.asarray(k, d2.dtype) * 0.0
    _, idx = jax.lax.top_k(-d2, K_KNN)
    return idx

def bn_relu(h, gamma, beta):
    mean = jnp.mean(h, axis=(0, 2), keepdims=True)
    var = jnp.var(h, axis=(0, 2), keepdims=True)
    hn = (h - mean) / jnp.sqrt(var + EPS)
    return jax.nn.relu(hn * gamma[None, :, None] + beta[None, :, None])

def reference(x, coords, k, W1, W2, gamma1, beta1, gamma2, beta2):
    features = jnp.transpose(x, (0, 2, 1))  # [B, N, D]
    fps_idx = farthest_point_sample(coords, S)  # [B, S]
    new_xyz = jnp.take_along_axis(coords, fps_idx[:, :, None], axis=1)  # [B, S, 3]
    center_feat = jnp.take_along_axis(features, fps_idx[:, :, None], axis=1)  # [B, S, D]
    knn_idx = knn_indices(new_xyz, coords, k)  # [B, S, k]
    grouped = jax.vmap(lambda f, i: f[i])(features, knn_idx)  # [B, S, k, D]
    centered = grouped - center_feat[:, :, None, :]
    agg = jnp.concatenate([centered,
                           jnp.broadcast_to(center_feat[:, :, None, :], centered.shape)], axis=-1)  # [B,S,k,2D]
    b, s, kk, d = agg.shape
    nf = jnp.transpose(agg, (0, 1, 3, 2)).reshape(b * s, d, kk)
    h = bn_relu(jnp.einsum('oc,bcl->bol', W1, nf), gamma1, beta1)
    h = bn_relu(jnp.einsum('oc,bcl->bol', W2, h), gamma2, beta2)
    pooled = jnp.max(h, axis=-1)  # adaptive_max_pool1d(.,1)
    out = jnp.transpose(pooled.reshape(b, s, -1), (0, 2, 1))  # [B, OUT_CH, S]
    return new_xyz, out, fps_idx

if __name__ == "__main__":
    import jax
    _d = setup_inputs()
    print(jax.jit(kernel)(*tuple(_d.values())))

</pallas_src>

<mosaic_0001>
#map = affine_map<(d0, d1) -> (0, 0)>
#map1 = affine_map<(d0, d1) -> (0)>
module attributes {stable_mosaic.version = 14 : i64} {
  func.func @_sc_gather_body(%arg0: i32, %arg1: i32, %arg2: memref<8192x128xf32, #tpu.memory_space<hbm>>, %arg3: memref<32768xi32, #tpu.memory_space<hbm>>, %arg4: memref<1024xi32, #tpu.memory_space<hbm>>, %arg5: memref<32768x128xf32, #tpu.memory_space<hbm>>, %arg6: memref<1024x128xf32, #tpu.memory_space<hbm>>, %arg7: memref<256xi32, #tpu.memory_space<vmem>>, %arg8: memref<256x128xf32, #tpu.memory_space<vmem>>, %arg9: memref<32xi32, #tpu.memory_space<vmem>>, %arg10: memref<32x128xf32, #tpu.memory_space<vmem>>, %arg11: memref<!tpu.dma_semaphore, #tpu.memory_space<semaphore_mem>>) attributes {dimension_semantics = [#tpu.dimension_semantics<core_parallel>, #tpu.dimension_semantics<subcore_parallel>], iteration_bounds = array<i64: 2, 16>, scalar_prefetch = 0 : i64, scratch_operands = 5 : i64, tpu.core_type = #tpu.core_type<sc_vector_subcore>, window_params = [{transform_indices = #map}, {transform_indices = #map1}, {transform_indices = #map1}, {transform_indices = #map}, {transform_indices = #map}]} {
    %mul3A = arith.constant 2 : i32
    %mul3A_0 = arith.muli %arg1, %mul3A : i32
    %add3A = arith.addi %mul3A_0, %arg0 : i32
    %mul3A_1 = arith.constant 1024 : i32
    %mul3A_2 = arith.muli %add3A, %mul3A_1 : i32
    %add3A_3 = arith.constant 0 : i32
    %add3A_4 = arith.addi %mul3A_2, %add3A_3 : i32
    "tpu.region"() ({
      %run_scoped3A = tpu.sem_alloc : memref<!tpu.dma_semaphore, #tpu.memory_space<semaphore_mem>>
      %dma_start3A_41 = tpu.memref_slice %arg3[%add3A_4] : memref<32768xi32, #tpu.memory_space<hbm>> -> memref<256xi32, #tpu.memory_space<hbm>>
      %dma_start3A_42 = tpu.memref_slice %arg3[%add3A_4] : memref<32768xi32, #tpu.memory_space<hbm>> -> memref<256xi32, #tpu.memory_space<hbm>>
      tpu.enqueue_dma source(%dma_start3A_42 : memref<256xi32, #tpu.memory_space<hbm>>) target(%arg7 : memref<256xi32, #tpu.memory_space<vmem>>) target_semaphore(%run_scoped3A : memref<!tpu.dma_semaphore, #tpu.memory_space<semaphore_mem>>)
      %dma_wait3A_43 = tpu.memref_slice %arg3[%add3A_4] : memref<32768xi32, #tpu.memory_space<hbm>> -> memref<256xi32, #tpu.memory_space<hbm>>
      %dma_wait3A_44 = tpu.memref_slice %arg3[%add3A_4] : memref<32768xi32, #tpu.memory_space<hbm>> -> memref<256xi32, #tpu.memory_space<hbm>>
      tpu.wait_dma2 semaphore(%run_scoped3A : memref<!tpu.dma_semaphore, #tpu.memory_space<semaphore_mem>>) src(%dma_wait3A_44 : memref<256xi32, #tpu.memory_space<hbm>>) dst(%arg7 : memref<256xi32, #tpu.memory_space<vmem>>)
      tpu.yield
    }) : () -> ()
    %dma_start3A = arith.constant 0 : i32
    %dma_start3A_5 = arith.constant 0 : i32
    %dma_start3A_6 = tpu.memref_slice %arg2[%dma_start3A, %dma_start3A_5] : memref<8192x128xf32, #tpu.memory_space<hbm>> -> memref<8192x128xf32, #tpu.memory_space<hbm>>
    tpu.enqueue_indirect_dma source(%dma_start3A_6 : memref<8192x128xf32, #tpu.memory_space<hbm>>) target(%arg8 : memref<256x128xf32, #tpu.memory_space<vmem>>) offsets(%arg7 : memref<256xi32, #tpu.memory_space<vmem>>) semaphore(%arg11 : memref<!tpu.dma_semaphore, #tpu.memory_space<semaphore_mem>>)
    %dma_wait3A = arith.constant 0 : i32
    %dma_wait3A_7 = arith.constant 0 : i32
    %dma_wait3A_8 = tpu.memref_slice %arg2[%dma_wait3A, %dma_wait3A_7] : memref<8192x128xf32, #tpu.memory_space<hbm>> -> memref<8192x128xf32, #tpu.memory_space<hbm>>
    tpu.wait_indirect_dma semaphore(%arg11 : memref<!tpu.dma_semaphore, #tpu.memory_space<semaphore_mem>>) src(%dma_wait3A_8 : memref<8192x128xf32, #tpu.memory_space<hbm>>) dst(%arg8 : memref<256x128xf32, #tpu.memory_space<vmem>>)
    "tpu.region"() ({
      %run_scoped3A = tpu.sem_alloc : memref<!tpu.dma_semaphore, #tpu.memory_space<semaphore_mem>>
      %dma_start3A_41 = arith.constant 0 : i32
      %dma_start3A_42 = tpu.memref_slice %arg5[%add3A_4, %dma_start3A_41] : memref<32768x128xf32, #tpu.memory_space<hbm>> -> memref<256x128xf32, #tpu.memory_space<hbm>>
      %dma_start3A_43 = arith.constant 0 : i32
      %dma_start3A_44 = tpu.memref_slice %arg5[%add3A_4, %dma_start3A_43] : memref<32768x128xf32, #tpu.memory_space<hbm>> -> memref<256x128xf32, #tpu.memory_space<hbm>>
      tpu.enqueue_dma source(%arg8 : memref<256x128xf32, #tpu.memory_space<vmem>>) target(%dma_start3A_44 : memref<256x128xf32, #tpu.memory_space<hbm>>) target_semaphore(%run_scoped3A : memref<!tpu.dma_semaphore, #tpu.memory_space<semaphore_mem>>)
      %dma_wait3A_45 = arith.constant 0 : i32
      %dma_wait3A_46 = tpu.memref_slice %arg5[%add3A_4, %dma_wait3A_45] : memref<32768x128xf32, #tpu.memory_space<hbm>> -> memref<256x128xf32, #tpu.memory_space<hbm>>
      %dma_wait3A_47 = arith.constant 0 : i32
      %dma_wait3A_48 = tpu.memref_slice %arg5[%add3A_4, %dma_wait3A_47] : memref<32768x128xf32, #tpu.memory_space<hbm>> -> memref<256x128xf32, #tpu.memory_space<hbm>>
      tpu.wait_dma2 semaphore(%run_scoped3A : memref<!tpu.dma_semaphore, #tpu.memory_space<semaphore_mem>>) src(%arg8 : memref<256x128xf32, #tpu.memory_space<vmem>>) dst(%dma_wait3A_48 : memref<256x128xf32, #tpu.memory_space<hbm>>)
      tpu.yield
    }) : () -> ()
    %add3A_9 = arith.constant 256 : i32
    %add3A_10 = arith.addi %mul3A_2, %add3A_9 : i32
    "tpu.region"() ({
      %run_scoped3A = tpu.sem_alloc : memref<!tpu.dma_semaphore, #tpu.memory_space<semaphore_mem>>
      %dma_start3A_41 = tpu.memref_slice %arg3[%add3A_10] : memref<32768xi32, #tpu.memory_space<hbm>> -> memref<256xi32, #tpu.memory_space<hbm>>
      %dma_start3A_42 = tpu.memref_slice %arg3[%add3A_10] : memref<32768xi32, #tpu.memory_space<hbm>> -> memref<256xi32, #tpu.memory_space<hbm>>
      tpu.enqueue_dma source(%dma_start3A_42 : memref<256xi32, #tpu.memory_space<hbm>>) target(%arg7 : memref<256xi32, #tpu.memory_space<vmem>>) target_semaphore(%run_scoped3A : memref<!tpu.dma_semaphore, #tpu.memory_space<semaphore_mem>>)
      %dma_wait3A_43 = tpu.memref_slice %arg3[%add3A_10] : memref<32768xi32, #tpu.memory_space<hbm>> -> memref<256xi32, #tpu.memory_space<hbm>>
      %dma_wait3A_44 = tpu.memref_slice %arg3[%add3A_10] : memref<32768xi32, #tpu.memory_space<hbm>> -> memref<256xi32, #tpu.memory_space<hbm>>
      tpu.wait_dma2 semaphore(%run_scoped3A : memref<!tpu.dma_semaphore, #tpu.memory_space<semaphore_mem>>) src(%dma_wait3A_44 : memref<256xi32, #tpu.memory_space<hbm>>) dst(%arg7 : memref<256xi32, #tpu.memory_space<vmem>>)
      tpu.yield
    }) : () -> ()
    %dma_start3A_11 = arith.constant 0 : i32
    %dma_start3A_12 = arith.constant 0 : i32
    %dma_start3A_13 = tpu.memref_slice %arg2[%dma_start3A_11, %dma_start3A_12] : memref<8192x128xf32, #tpu.memory_space<hbm>> -> memref<8192x128xf32, #tpu.memory_space<hbm>>
    tpu.enqueue_indirect_dma source(%dma_start3A_13 : memref<8192x128xf32, #tpu.memory_space<hbm>>) target(%arg8 : memref<256x128xf32, #tpu.memory_space<vmem>>) offsets(%arg7 : memref<256xi32, #tpu.memory_space<vmem>>) semaphore(%arg11 : memref<!tpu.dma_semaphore, #tpu.memory_space<semaphore_mem>>)
    %dma_wait3A_14 = arith.constant 0 : i32
    %dma_wait3A_15 = arith.constant 0 : i32
    %dma_wait3A_16 = tpu.memref_slice %arg2[%dma_wait3A_14, %dma_wait3A_15] : memref<8192x128xf32, #tpu.memory_space<hbm>> -> memref<8192x128xf32, #tpu.memory_space<hbm>>
    tpu.wait_indirect_dma semaphore(%arg11 : memref<!tpu.dma_semaphore, #tpu.memory_space<semaphore_mem>>) src(%dma_wait3A_16 : memref<8192x128xf32, #tpu.memory_space<hbm>>) dst(%arg8 : memref<256x128xf32, #tpu.memory_space<vmem>>)
    "tpu.region"() ({
      %run_scoped3A = tpu.sem_alloc : memref<!tpu.dma_semaphore, #tpu.memory_space<semaphore_mem>>
      %dma_start3A_41 = arith.constant 0 : i32
      %dma_start3A_42 = tpu.memref_slice %arg5[%add3A_10, %dma_start3A_41] : memref<32768x128xf32, #tpu.memory_space<hbm>> -> memref<256x128xf32, #tpu.memory_space<hbm>>
      %dma_start3A_43 = arith.constant 0 : i32
      %dma_start3A_44 = tpu.memref_slice %arg5[%add3A_10, %dma_start3A_43] : memref<32768x128xf32, #tpu.memory_space<hbm>> -> memref<256x128xf32, #tpu.memory_space<hbm>>
      tpu.enqueue_dma source(%arg8 : memref<256x128xf32, #tpu.memory_space<vmem>>) target(%dma_start3A_44 : memref<256x128xf32, #tpu.memory_space<hbm>>) target_semaphore(%run_scoped3A : memref<!tpu.dma_semaphore, #tpu.memory_space<semaphore_mem>>)
      %dma_wait3A_45 = arith.constant 0 : i32
      %dma_wait3A_46 = tpu.memref_slice %arg5[%add3A_10, %dma_wait3A_45] : memref<32768x128xf32, #tpu.memory_space<hbm>> -> memref<256x128xf32, #tpu.memory_space<hbm>>
      %dma_wait3A_47 = arith.constant 0 : i32
      %dma_wait3A_48 = tpu.memref_slice %arg5[%add3A_10, %dma_wait3A_47] : memref<32768x128xf32, #tpu.memory_space<hbm>> -> memref<256x128xf32, #tpu.memory_space<hbm>>
      tpu.wait_dma2 semaphore(%run_scoped3A : memref<!tpu.dma_semaphore, #tpu.memory_space<semaphore_mem>>) src(%arg8 : memref<256x128xf32, #tpu.memory_space<vmem>>) dst(%dma_wait3A_48 : memref<256x128xf32, #tpu.memory_space<hbm>>)
      tpu.yield
    }) : () -> ()
    %add3A_17 = arith.constant 512 : i32
    %add3A_18 = arith.addi %mul3A_2, %add3A_17 : i32
    "tpu.region"() ({
      %run_scoped3A = tpu.sem_alloc : memref<!tpu.dma_semaphore, #tpu.memory_space<semaphore_mem>>
      %dma_start3A_41 = tpu.memref_slice %arg3[%add3A_18] : memref<32768xi32, #tpu.memory_space<hbm>> -> memref<256xi32, #tpu.memory_space<hbm>>
      %dma_start3A_42 = tpu.memref_slice %arg3[%add3A_18] : memref<32768xi32, #tpu.memory_space<hbm>> -> memref<256xi32, #tpu.memory_space<hbm>>
      tpu.enqueue_dma source(%dma_start3A_42 : memref<256xi32, #tpu.memory_space<hbm>>) target(%arg7 : memref<256xi32, #tpu.memory_space<vmem>>) target_semaphore(%run_scoped3A : memref<!tpu.dma_semaphore, #tpu.memory_space<semaphore_mem>>)
      %dma_wait3A_43 = tpu.memref_slice %arg3[%add3A_18] : memref<32768xi32, #tpu.memory_space<hbm>> -> memref<256xi32, #tpu.memory_space<hbm>>
      %dma_wait3A_44 = tpu.memref_slice %arg3[%add3A_18] : memref<32768xi32, #tpu.memory_space<hbm>> -> memref<256xi32, #tpu.memory_space<hbm>>
      tpu.wait_dma2 semaphore(%run_scoped3A : memref<!tpu.dma_semaphore, #tpu.memory_space<semaphore_mem>>) src(%dma_wait3A_44 : memref<256xi32, #tpu.memory_space<hbm>>) dst(%arg7 : memref<256xi32, #tpu.memory_space<vmem>>)
      tpu.yield
    }) : () -> ()
    %dma_start3A_19 = arith.constant 0 : i32
    %dma_start3A_20 = arith.constant 0 : i32
    %dma_start3A_21 = tpu.memref_slice %arg2[%dma_start3A_19, %dma_start3A_20] : memref<8192x128xf32, #tpu.memory_space<hbm>> -> memref<8192x128xf32, #tpu.memory_space<hbm>>
    tpu.enqueue_indirect_dma source(%dma_start3A_21 : memref<8192x128xf32, #tpu.memory_space<hbm>>) target(%arg8 : memref<256x128xf32, #tpu.memory_space<vmem>>) offsets(%arg7 : memref<256xi32, #tpu.memory_space<vmem>>) semaphore(%arg11 : memref<!tpu.dma_semaphore, #tpu.memory_space<semaphore_mem>>)
    %dma_wait3A_22 = arith.constant 0 : i32
    %dma_wait3A_23 = arith.constant 0 : i32
    %dma_wait3A_24 = tpu.memref_slice %arg2[%dma_wait3A_22, %dma_wait3A_23] : memref<8192x128xf32, #tpu.memory_space<hbm>> -> memref<8192x128xf32, #tpu.memory_space<hbm>>
    tpu.wait_indirect_dma semaphore(%arg11 : memref<!tpu.dma_semaphore, #tpu.memory_space<semaphore_mem>>) src(%dma_wait3A_24 : memref<8192x128xf32, #tpu.memory_space<hbm>>) dst(%arg8 : memref<256x128xf32, #tpu.memory_space<vmem>>)
    "tpu.region"() ({
      %run_scoped3A = tpu.sem_alloc : memref<!tpu.dma_semaphore, #tpu.memory_space<semaphore_mem>>
      %dma_start3A_41 = arith.constant 0 : i32
      %dma_start3A_42 = tpu.memref_slice %arg5[%add3A_18, %dma_start3A_41] : memref<32768x128xf32, #tpu.memory_space<hbm>> -> memref<256x128xf32, #tpu.memory_space<hbm>>
      %dma_start3A_43 = arith.constant 0 : i32
      %dma_start3A_44 = tpu.memref_slice %arg5[%add3A_18, %dma_start3A_43] : memref<32768x128xf32, #tpu.memory_space<hbm>> -> memref<256x128xf32, #tpu.memory_space<hbm>>
      tpu.enqueue_dma source(%arg8 : memref<256x128xf32, #tpu.memory_space<vmem>>) target(%dma_start3A_44 : memref<256x128xf32, #tpu.memory_space<hbm>>) target_semaphore(%run_scoped3A : memref<!tpu.dma_semaphore, #tpu.memory_space<semaphore_mem>>)
      %dma_wait3A_45 = arith.constant 0 : i32
      %dma_wait3A_46 = tpu.memref_slice %arg5[%add3A_18, %dma_wait3A_45] : memref<32768x128xf32, #tpu.memory_space<hbm>> -> memref<256x128xf32, #tpu.memory_space<hbm>>
      %dma_wait3A_47 = arith.constant 0 : i32
      %dma_wait3A_48 = tpu.memref_slice %arg5[%add3A_18, %dma_wait3A_47] : memref<32768x128xf32, #tpu.memory_space<hbm>> -> memref<256x128xf32, #tpu.memory_space<hbm>>
      tpu.wait_dma2 semaphore(%run_scoped3A : memref<!tpu.dma_semaphore, #tpu.memory_space<semaphore_mem>>) src(%arg8 : memref<256x128xf32, #tpu.memory_space<vmem>>) dst(%dma_wait3A_48 : memref<256x128xf32, #tpu.memory_space<hbm>>)
      tpu.yield
    }) : () -> ()
    %add3A_25 = arith.constant 768 : i32
    %add3A_26 = arith.addi %mul3A_2, %add3A_25 : i32
    "tpu.region"() ({
      %run_scoped3A = tpu.sem_alloc : memref<!tpu.dma_semaphore, #tpu.memory_space<semaphore_mem>>
      %dma_start3A_41 = tpu.memref_slice %arg3[%add3A_26] : memref<32768xi32, #tpu.memory_space<hbm>> -> memref<256xi32, #tpu.memory_space<hbm>>
      %dma_start3A_42 = tpu.memref_slice %arg3[%add3A_26] : memref<32768xi32, #tpu.memory_space<hbm>> -> memref<256xi32, #tpu.memory_space<hbm>>
      tpu.enqueue_dma source(%dma_start3A_42 : memref<256xi32, #tpu.memory_space<hbm>>) target(%arg7 : memref<256xi32, #tpu.memory_space<vmem>>) target_semaphore(%run_scoped3A : memref<!tpu.dma_semaphore, #tpu.memory_space<semaphore_mem>>)
      %dma_wait3A_43 = tpu.memref_slice %arg3[%add3A_26] : memref<32768xi32, #tpu.memory_space<hbm>> -> memref<256xi32, #tpu.memory_space<hbm>>
      %dma_wait3A_44 = tpu.memref_slice %arg3[%add3A_26] : memref<32768xi32, #tpu.memory_space<hbm>> -> memref<256xi32, #tpu.memory_space<hbm>>
      tpu.wait_dma2 semaphore(%run_scoped3A : memref<!tpu.dma_semaphore, #tpu.memory_space<semaphore_mem>>) src(%dma_wait3A_44 : memref<256xi32, #tpu.memory_space<hbm>>) dst(%arg7 : memref<256xi32, #tpu.memory_space<vmem>>)
      tpu.yield
    }) : () -> ()
    %dma_start3A_27 = arith.constant 0 : i32
    %dma_start3A_28 = arith.constant 0 : i32
    %dma_start3A_29 = tpu.memref_slice %arg2[%dma_start3A_27, %dma_start3A_28] : memref<8192x128xf32, #tpu.memory_space<hbm>> -> memref<8192x128xf32, #tpu.memory_space<hbm>>
    tpu.enqueue_indirect_dma source(%dma_start3A_29 : memref<8192x128xf32, #tpu.memory_space<hbm>>) target(%arg8 : memref<256x128xf32, #tpu.memory_space<vmem>>) offsets(%arg7 : memref<256xi32, #tpu.memory_space<vmem>>) semaphore(%arg11 : memref<!tpu.dma_semaphore, #tpu.memory_space<semaphore_mem>>)
    %dma_wait3A_30 = arith.constant 0 : i32
    %dma_wait3A_31 = arith.constant 0 : i32
    %dma_wait3A_32 = tpu.memref_slice %arg2[%dma_wait3A_30, %dma_wait3A_31] : memref<8192x128xf32, #tpu.memory_space<hbm>> -> memref<8192x128xf32, #tpu.memory_space<hbm>>
    tpu.wait_indirect_dma semaphore(%arg11 : memref<!tpu.dma_semaphore, #tpu.memory_space<semaphore_mem>>) src(%dma_wait3A_32 : memref<8192x128xf32, #tpu.memory_space<hbm>>) dst(%arg8 : memref<256x128xf32, #tpu.memory_space<vmem>>)
    "tpu.region"() ({
      %run_scoped3A = tpu.sem_alloc : memref<!tpu.dma_semaphore, #tpu.memory_space<semaphore_mem>>
      %dma_start3A_41 = arith.constant 0 : i32
      %dma_start3A_42 = tpu.memref_slice %arg5[%add3A_26, %dma_start3A_41] : memref<32768x128xf32, #tpu.memory_space<hbm>> -> memref<256x128xf32, #tpu.memory_space<hbm>>
      %dma_start3A_43 = arith.constant 0 : i32
      %dma_start3A_44 = tpu.memref_slice %arg5[%add3A_26, %dma_start3A_43] : memref<32768x128xf32, #tpu.memory_space<hbm>> -> memref<256x128xf32, #tpu.memory_space<hbm>>
      tpu.enqueue_dma source(%arg8 : memref<256x128xf32, #tpu.memory_space<vmem>>) target(%dma_start3A_44 : memref<256x128xf32, #tpu.memory_space<hbm>>) target_semaphore(%run_scoped3A : memref<!tpu.dma_semaphore, #tpu.memory_space<semaphore_mem>>)
      %dma_wait3A_45 = arith.constant 0 : i32
      %dma_wait3A_46 = tpu.memref_slice %arg5[%add3A_26, %dma_wait3A_45] : memref<32768x128xf32, #tpu.memory_space<hbm>> -> memref<256x128xf32, #tpu.memory_space<hbm>>
      %dma_wait3A_47 = arith.constant 0 : i32
      %dma_wait3A_48 = tpu.memref_slice %arg5[%add3A_26, %dma_wait3A_47] : memref<32768x128xf32, #tpu.memory_space<hbm>> -> memref<256x128xf32, #tpu.memory_space<hbm>>
      tpu.wait_dma2 semaphore(%run_scoped3A : memref<!tpu.dma_semaphore, #tpu.memory_space<semaphore_mem>>) src(%arg8 : memref<256x128xf32, #tpu.memory_space<vmem>>) dst(%dma_wait3A_48 : memref<256x128xf32, #tpu.memory_space<hbm>>)
      tpu.yield
    }) : () -> ()
    %mul3A_33 = arith.constant 32 : i32
    %mul3A_34 = arith.muli %add3A, %mul3A_33 : i32
    "tpu.region"() ({
      %run_scoped3A = tpu.sem_alloc : memref<!tpu.dma_semaphore, #tpu.memory_space<semaphore_mem>>
      %dma_start3A_41 = tpu.memref_slice %arg4[%mul3A_34] : memref<1024xi32, #tpu.memory_space<hbm>> -> memref<32xi32, #tpu.memory_space<hbm>>
      %dma_start3A_42 = tpu.memref_slice %arg4[%mul3A_34] : memref<1024xi32, #tpu.memory_space<hbm>> -> memref<32xi32, #tpu.memory_space<hbm>>
      tpu.enqueue_dma source(%dma_start3A_42 : memref<32xi32, #tpu.memory_space<hbm>>) target(%arg9 : memref<32xi32, #tpu.memory_space<vmem>>) target_semaphore(%run_scoped3A : memref<!tpu.dma_semaphore, #tpu.memory_space<semaphore_mem>>)
      %dma_wait3A_43 = tpu.memref_slice %arg4[%mul3A_34] : memref<1024xi32, #tpu.memory_space<hbm>> -> memref<32xi32, #tpu.memory_space<hbm>>
      %dma_wait3A_44 = tpu.memref_slice %arg4[%mul3A_34] : memref<1024xi32, #tpu.memory_space<hbm>> -> memref<32xi32, #tpu.memory_space<hbm>>
      tpu.wait_dma2 semaphore(%run_scoped3A : memref<!tpu.dma_semaphore, #tpu.memory_space<semaphore_mem>>) src(%dma_wait3A_44 : memref<32xi32, #tpu.memory_space<hbm>>) dst(%arg9 : memref<32xi32, #tpu.memory_space<vmem>>)
      tpu.yield
    }) : () -> ()
    %dma_start3A_35 = arith.constant 0 : i32
    %dma_start3A_36 = arith.constant 0 : i32
    %dma_start3A_37 = tpu.memref_slice %arg2[%dma_start3A_35, %dma_start3A_36] : memref<8192x128xf32, #tpu.memory_space<hbm>> -> memref<8192x128xf32, #tpu.memory_space<hbm>>
    tpu.enqueue_indirect_dma source(%dma_start3A_37 : memref<8192x128xf32, #tpu.memory_space<hbm>>) target(%arg10 : memref<32x128xf32, #tpu.memory_space<vmem>>) offsets(%arg9 : memref<32xi32, #tpu.memory_space<vmem>>) semaphore(%arg11 : memref<!tpu.dma_semaphore, #tpu.memory_space<semaphore_mem>>)
    %dma_wait3A_38 = arith.constant 0 : i32
    %dma_wait3A_39 = arith.constant 0 : i32
    %dma_wait3A_40 = tpu.memref_slice %arg2[%dma_wait3A_38, %dma_wait3A_39] : memref<8192x128xf32, #tpu.memory_space<hbm>> -> memref<8192x128xf32, #tpu.memory_space<hbm>>
    tpu.wait_indirect_dma semaphore(%arg11 : memref<!tpu.dma_semaphore, #tpu.memory_space<semaphore_mem>>) src(%dma_wait3A_40 : memref<8192x128xf32, #tpu.memory_space<hbm>>) dst(%arg10 : memref<32x128xf32, #tpu.memory_space<vmem>>)
    "tpu.region"() ({
      %run_scoped3A = tpu.sem_alloc : memref<!tpu.dma_semaphore, #tpu.memory_space<semaphore_mem>>
      %dma_start3A_41 = arith.constant 0 : i32
      %dma_start3A_42 = tpu.memref_slice %arg6[%mul3A_34, %dma_start3A_41] : memref<1024x128xf32, #tpu.memory_space<hbm>> -> memref<32x128xf32, #tpu.memory_space<hbm>>
      %dma_start3A_43 = arith.constant 0 : i32
      %dma_start3A_44 = tpu.memref_slice %arg6[%mul3A_34, %dma_start3A_43] : memref<1024x128xf32, #tpu.memory_space<hbm>> -> memref<32x128xf32, #tpu.memory_space<hbm>>
      tpu.enqueue_dma source(%arg10 : memref<32x128xf32, #tpu.memory_space<vmem>>) target(%dma_start3A_44 : memref<32x128xf32, #tpu.memory_space<hbm>>) target_semaphore(%run_scoped3A : memref<!tpu.dma_semaphore, #tpu.memory_space<semaphore_mem>>)
      %dma_wait3A_45 = arith.constant 0 : i32
      %dma_wait3A_46 = tpu.memref_slice %arg6[%mul3A_34, %dma_wait3A_45] : memref<1024x128xf32, #tpu.memory_space<hbm>> -> memref<32x128xf32, #tpu.memory_space<hbm>>
      %dma_wait3A_47 = arith.constant 0 : i32
      %dma_wait3A_48 = tpu.memref_slice %arg6[%mul3A_34, %dma_wait3A_47] : memref<1024x128xf32, #tpu.memory_space<hbm>> -> memref<32x128xf32, #tpu.memory_space<hbm>>
      tpu.wait_dma2 semaphore(%run_scoped3A : memref<!tpu.dma_semaphore, #tpu.memory_space<semaphore_mem>>) src(%arg10 : memref<32x128xf32, #tpu.memory_space<vmem>>) dst(%dma_wait3A_48 : memref<32x128xf32, #tpu.memory_space<hbm>>)
      tpu.yield
    }) : () -> ()
    return
  }
}

module attributes {stable_mosaic.version = 14 : i64} {
  func.func @_knn_kernel(%arg0: i32, %arg1: memref<1x3x2048xf32, #tpu.memory_space<vmem>>, %arg2: memref<1x256x1xi32, #tpu.memory_space<vmem>>, %arg3: memref<1x256x32xi32, #tpu.memory_space<vmem>>, %arg4: memref<1x256x3xf32, #tpu.memory_space<vmem>>, %arg5: memref<256x2048xf32, #tpu.memory_space<vmem>>) attributes {dimension_semantics = [#tpu.dimension_semantics<arbitrary>], iteration_bounds = array<i64: 4>, scalar_prefetch = 0 : i64, scratch_operands = 1 : i64, tpu.core_type = #tpu.core_type<tc>, window_params = [{transform_indices = @transform_0, window_bounds = array<i64: 1, 3, 2048>}, {transform_indices = @transform_1, window_bounds = array<i64: 1, 256, 1>}, {transform_indices = @transform_2, window_bounds = array<i64: 1, 256, 32>}, {transform_indices = @transform_3, window_bounds = array<i64: 1, 256, 3>}]} {
    %iota3A = tpu.iota {dimensions = array<i32: 1>} : vector<256x2048xi32>
    %get3A = arith.constant 0 : index
    %get3A_0 = arith.constant 0 : index
    %get3A_1 = arith.constant 0 : index
    %get3A_2 = vector.load %arg2[%get3A, %get3A_0, %get3A_1] : memref<1x256x1xi32, #tpu.memory_space<vmem>>, vector<1x256x1xi32>
    %get3A_3 = vector.shape_cast %get3A_2 : vector<1x256x1xi32> to vector<256x1xi32>
    %eq3A = vector.broadcast %get3A_3 : vector<256x1xi32> to vector<256x2048xi32>
    %eq3A_4 = arith.cmpi eq, %eq3A, %iota3A : vector<256x2048xi32>
    %convert_element_type3A = arith.extui %eq3A_4 : vector<256x2048xi1> to vector<256x2048xi32>
    %convert_element_type3A_5 = arith.sitofp %convert_element_type3A : vector<256x2048xi32> to vector<256x2048xf32>
    %get3A_6 = arith.constant 0 : index
    %get3A_7 = arith.constant 0 : index
    %get3A_8 = arith.constant 0 : index
    %get3A_9 = vector.load %arg1[%get3A_6, %get3A_7, %get3A_8] : memref<1x3x2048xf32, #tpu.memory_space<vmem>>, vector<1x3x2048xf32>
    %get3A_10 = vector.shape_cast %get3A_9 : vector<1x3x2048xf32> to vector<3x2048xf32>
    %dot_general3A = arith.constant dense<0.000000e+00> : vector<256x3xf32>
    %dot_general3A_11 = tpu.matmul %convert_element_type3A_5, %get3A_10, %dot_general3A {dimension_numbers = #tpu.dot_dimension_numbers<[1], [1], [0], [0], [0, 0, 1, 0], [], []>, precision = #tpu.contract_precision<fp32>, transpose_lhs_hint = false} : vector<256x2048xf32>, vector<3x2048xf32>, vector<256x3xf32> -> vector<256x3xf32>
    %swap3A = arith.constant 0 : index
    %swap3A_12 = arith.constant 0 : index
    %swap3A_13 = arith.constant 0 : index
    %swap3A_14 = vector.load %arg4[%swap3A, %swap3A_12, %swap3A_13] : memref<1x256x3xf32, #tpu.memory_space<vmem>>, vector<1x256x3xf32>
    %swap3A_15 = vector.shape_cast %swap3A_14 : vector<1x256x3xf32> to vector<256x3xf32>
    %swap3A_16 = vector.shape_cast %dot_general3A_11 : vector<256x3xf32> to vector<1x256x3xf32>
    tpu.vector_store %arg4[%swap3A, %swap3A_12, %swap3A_13], %swap3A_16 {strides = array<i32>} : memref<1x256x3xf32, #tpu.memory_space<vmem>>, vector<1x256x3xf32>,
    %get3A_17 = arith.constant 0 : index
    %get3A_18 = arith.constant 0 : index
    %get3A_19 = arith.constant 0 : index
    %get3A_20 = vector.load %arg1[%get3A_17, %get3A_18, %get3A_19] : memref<1x3x2048xf32, #tpu.memory_space<vmem>>, vector<1x1x2048xf32>
    %get3A_21 = vector.shape_cast %get3A_20 : vector<1x1x2048xf32> to vector<2048xf32>
    %broadcast_in_dim3A = vector.shape_cast %get3A_21 : vector<2048xf32> to vector<1x2048xf32>
    %get3A_22 = arith.constant 0 : index
    %get3A_23 = arith.constant 1 : index
    %get3A_24 = arith.constant 0 : index
    %get3A_25 = vector.load %arg1[%get3A_22, %get3A_23, %get3A_24] : memref<1x3x2048xf32, #tpu.memory_space<vmem>>, vector<1x1x2048xf32>
    %get3A_26 = vector.shape_cast %get3A_25 : vector<1x1x2048xf32> to vector<2048xf32>
    %broadcast_in_dim3A_27 = vector.shape_cast %get3A_26 : vector<2048xf32> to vector<1x2048xf32>
    %get3A_28 = arith.constant 0 : index
    %get3A_29 = arith.constant 2 : index
    %get3A_30 = arith.constant 0 : index
    %get3A_31 = vector.load %arg1[%get3A_28, %get3A_29, %get3A_30] : memref<1x3x2048xf32, #tpu.memory_space<vmem>>, vector<1x1x2048xf32>
    %get3A_32 = vector.shape_cast %get3A_31 : vector<1x1x2048xf32> to vector<2048xf32>
    %broadcast_in_dim3A_33 = vector.shape_cast %get3A_32 : vector<2048xf32> to vector<1x2048xf32>
    %slice3A = vector.extract_strided_slice %dot_general3A_11 {offsets = [0, 0], sizes = [256, 1], strides = [1, 1]} : vector<256x3xf32> to vector<256x1xf32>
    %slice3A_34 = vector.extract_strided_slice %dot_general3A_11 {offsets = [0, 1], sizes = [256, 1], strides = [1, 1]} : vector<256x3xf32> to vector<256x1xf32>
    %slice3A_35 = vector.extract_strided_slice %dot_general3A_11 {offsets = [0, 2], sizes = [256, 1], strides = [1, 1]} : vector<256x3xf32> to vector<256x1xf32>
    %get3A_36 = arith.constant 0 : index
    %get3A_37 = arith.constant 0 : index
    %get3A_38 = arith.constant 0 : index
    %get3A_39 = vector.load %arg1[%get3A_36, %get3A_37, %get3A_38] : memref<1x3x2048xf32, #tpu.memory_space<vmem>>, vector<1x3x2048xf32>
    %get3A_40 = vector.shape_cast %get3A_39 : vector<1x3x2048xf32> to vector<3x2048xf32>
    %dot_general3A_41 = arith.constant dense<0.000000e+00> : vector<256x2048xf32>
    %dot_general3A_42 = tpu.matmul %dot_general3A_11, %get3A_40, %dot_general3A_41 {dimension_numbers = #tpu.dot_dimension_numbers<[1], [0], [0], [1], [0, 0, 1, 1], [], []>, transpose_lhs_hint = false} : vector<256x3xf32>, vector<3x2048xf32>, vector<256x2048xf32> -> vector<256x2048xf32>
    %mul3A = arith.mulf %broadcast_in_dim3A, %broadcast_in_dim3A : vector<1x2048xf32>
    %mul3A_43 = arith.mulf %broadcast_in_dim3A_27, %broadcast_in_dim3A_27 : vector<1x2048xf32>
    %add3A = arith.addf %mul3A, %mul3A_43 : vector<1x2048xf32>
    %mul3A_44 = arith.mulf %broadcast_in_dim3A_33, %broadcast_in_dim3A_33 : vector<1x2048xf32>
    %add3A_45 = arith.addf %add3A, %mul3A_44 : vector<1x2048xf32>
    %mul3A_46 = arith.mulf %slice3A, %slice3A : vector<256x1xf32>
    %mul3A_47 = arith.mulf %slice3A_34, %slice3A_34 : vector<256x1xf32>
    %add3A_48 = arith.addf %mul3A_46, %mul3A_47 : vector<256x1xf32>
    %mul3A_49 = arith.mulf %slice3A_35, %slice3A_35 : vector<256x1xf32>
    %add3A_50 = arith.addf %add3A_48, %mul3A_49 : vector<256x1xf32>
    %add3A_51 = vector.broadcast %add3A_50 : vector<256x1xf32> to vector<256x2048xf32>
    %add3A_52 = vector.broadcast %add3A_45 : vector<1x2048xf32> to vector<256x2048xf32>
    %add3A_53 = arith.addf %add3A_51, %add3A_52 : vector<256x2048xf32>
    %mul3A_54 = arith.constant 2.000000e+00 : f32
    %mul3A_55 = vector.broadcast %mul3A_54 : f32 to vector<256x2048xf32>
    %mul3A_56 = arith.mulf %mul3A_55, %dot_general3A_42 : vector<256x2048xf32>
    %sub3A = arith.subf %add3A_53, %mul3A_56 : vector<256x2048xf32>
    %swap3A_57 = arith.constant 0 : index
    %swap3A_58 = arith.constant 0 : index
    %swap3A_59 = vector.load %arg5[%swap3A_57, %swap3A_58] : memref<256x2048xf32, #tpu.memory_space<vmem>>, vector<256x2048xf32>
    tpu.vector_store %arg5[%swap3A_57, %swap3A_58], %sub3A {strides = array<i32>} : memref<256x2048xf32, #tpu.memory_space<vmem>>, vector<256x2048xf32>,
    %iota3A_60 = tpu.iota {dimensions = array<i32: 1>} : vector<256x32xi32>
    %broadcast_in_dim3A_61 = arith.constant 0 : i32
    %broadcast_in_dim3A_62 = vector.broadcast %broadcast_in_dim3A_61 : i32 to vector<256x32xi32>
    %scan3A = arith.constant 0 : i32
    %scan3A_63 = arith.constant 32 : i32
    %scan3A_64 = arith.addi %scan3A, %scan3A_63 : i32
    %scan3A_65 = arith.constant 1 : i32
    %scan3A_66 = scf.for %scan3A_74 = %scan3A to %scan3A_64 step %scan3A_65 iter_args(%scan3A_75 = %broadcast_in_dim3A_62) -> (vector<256x32xi32>)  : i32 {
      %get3A_76 = arith.constant 0 : index
      %get3A_77 = arith.constant 0 : index
      %get3A_78 = vector.load %arg5[%get3A_76, %get3A_77] : memref<256x2048xf32, #tpu.memory_space<vmem>>, vector<256x2048xf32>
      %reduce_min3A = arith.constant dense<0x7F800000> : vector<256xf32>
      %reduce_min3A_79 = vector.multi_reduction <minimumf>, %get3A_78, %reduce_min3A [1] : vector<256x2048xf32> to vector<256xf32>
      %broadcast_in_dim3A_80 = vector.shape_cast %reduce_min3A_79 : vector<256xf32> to vector<256x1xf32>
      %eq3A_81 = vector.broadcast %broadcast_in_dim3A_80 : vector<256x1xf32> to vector<256x2048xf32>
      %eq3A_82 = arith.cmpf oeq, %get3A_78, %eq3A_81 : vector<256x2048xf32>
      %jit3A = arith.constant 2048 : i32
      %broadcast_in_dim3A_83 = vector.broadcast %jit3A : i32 to vector<256x2048xi32>
      %select_n3A = arith.select %eq3A_82, %iota3A, %broadcast_in_dim3A_83 : vector<256x2048xi1>, vector<256x2048xi32>
      %reduce_min3A_84 = arith.constant dense<2147483647> : vector<256xi32>
      %reduce_min3A_85 = vector.multi_reduction <minsi>, %select_n3A, %reduce_min3A_84 [1] : vector<256x2048xi32> to vector<256xi32>
      %broadcast_in_dim3A_86 = vector.shape_cast %reduce_min3A_85 : vector<256xi32> to vector<256x1xi32>
      %eq3A_87 = vector.broadcast %scan3A_74 : i32 to vector<256x32xi32>
      %eq3A_88 = arith.cmpi eq, %iota3A_60, %eq3A_87 : vector<256x32xi32>
      %broadcast_in_dim3A_89 = vector.shape_cast %broadcast_in_dim3A_86 : vector<256x1xi32> to vector<256x1xi32>
      %broadcast_in_dim3A_90 = vector.broadcast %broadcast_in_dim3A_89 : vector<256x1xi32> to vector<256x32xi32>
      %select_n3A_91 = arith.select %eq3A_88, %broadcast_in_dim3A_90, %scan3A_75 : vector<256x32xi1>, vector<256x32xi32>
      %eq3A_92 = vector.broadcast %broadcast_in_dim3A_86 : vector<256x1xi32> to vector<256x2048xi32>
      %eq3A_93 = arith.cmpi eq, %iota3A, %eq3A_92 : vector<256x2048xi32>
      %jit3A_94 = arith.constant 3.000000e+38 : f32
      %broadcast_in_dim3A_95 = vector.broadcast %jit3A_94 : f32 to vector<256x2048xf32>
      %select_n3A_96 = arith.select %eq3A_93, %broadcast_in_dim3A_95, %get3A_78 : vector<256x2048xi1>, vector<256x2048xf32>
      %swap3A_97 = arith.constant 0 : index
      %swap3A_98 = arith.constant 0 : index
      %swap3A_99 = vector.load %arg5[%swap3A_97, %swap3A_98] : memref<256x2048xf32, #tpu.memory_space<vmem>>, vector<256x2048xf32>
      tpu.vector_store %arg5[%swap3A_97, %swap3A_98], %select_n3A_96 {strides = array<i32>} : memref<256x2048xf32, #tpu.memory_space<vmem>>, vector<256x2048xf32>,
      scf.yield %select_n3A_91 : vector<256x32xi32>
    }
    %scan3A_67 = arith.constant 32 : i32
    %swap3A_68 = arith.constant 0 : index
    %swap3A_69 = arith.constant 0 : index
    %swap3A_70 = arith.constant 0 : index
    %swap3A_71 = vector.load %arg3[%swap3A_68, %swap3A_69, %swap3A_70] : memref<1x256x32xi32, #tpu.memory_space<vmem>>, vector<1x256x32xi32>
    %swap3A_72 = vector.shape_cast %swap3A_71 : vector<1x256x32xi32> to vector<256x32xi32>
    %swap3A_73 = vector.shape_cast %scan3A_66 : vector<256x32xi32> to vector<1x256x32xi32>
    tpu.vector_store %arg3[%swap3A_68, %swap3A_69, %swap3A_70], %swap3A_73 {strides = array<i32>} : memref<1x256x32xi32, #tpu.memory_space<vmem>>, vector<1x256x32xi32>,
    return
  }
  func.func @transform_0(%arg0: i32) -> (i32, i32, i32) {
    %c0_i32 = arith.constant 0 : i32
    %c0_i32_0 = arith.constant 0 : i32
    %c0_i32_1 = arith.constant 0 : i32
    return %arg0, %c0_i32, %c0_i32_0 : i32, i32, i32
  }
  func.func @transform_1(%arg0: i32) -> (i32, i32, i32) {
    %c0_i32 = arith.constant 0 : i32
    %c0_i32_0 = arith.constant 0 : i32
    %c0_i32_1 = arith.constant 0 : i32
    return %arg0, %c0_i32, %c0_i32_0 : i32, i32, i32
  }
  func.func @transform_2(%arg0: i32) -> (i32, i32, i32) {
    %c0_i32 = arith.constant 0 : i32
    %c0_i32_0 = arith.constant 0 : i32
    %c0_i32_1 = arith.constant 0 : i32
    return %arg0, %c0_i32, %c0_i32_0 : i32, i32, i32
  }
  func.func @transform_3(%arg0: i32) -> (i32, i32, i32) {
    %c0_i32 = arith.constant 0 : i32
    %c0_i32_0 = arith.constant 0 : i32
    %c0_i32_1 = arith.constant 0 : i32
    return %arg0, %c0_i32, %c0_i32_0 : i32, i32, i32
  }
}

module attributes {stable_mosaic.version = 14 : i64} {
  func.func @_fps_kernel(%arg0: memref<4x3x2048xf32, #tpu.memory_space<vmem>>, %arg1: memref<4x256xi32, #tpu.memory_space<smem>>) attributes {dimension_semantics = [], scalar_prefetch = 0 : i64, scratch_operands = 0 : i64, tpu.core_type = #tpu.core_type<tc>} {
    %get3A = arith.constant 0 : index
    %get3A_0 = arith.constant 0 : index
    %get3A_1 = arith.constant 0 : index
    %get3A_2 = vector.load %arg0[%get3A, %get3A_0, %get3A_1] : memref<4x3x2048xf32, #tpu.memory_space<vmem>>, vector<4x1x2048xf32>
    %get3A_3 = vector.shape_cast %get3A_2 : vector<4x1x2048xf32> to vector<4x2048xf32>
    %get3A_4 = arith.constant 0 : index
    %get3A_5 = arith.constant 1 : index
    %get3A_6 = arith.constant 0 : index
    %get3A_7 = vector.load %arg0[%get3A_4, %get3A_5, %get3A_6] : memref<4x3x2048xf32, #tpu.memory_space<vmem>>, vector<4x1x2048xf32>
    %get3A_8 = vector.shape_cast %get3A_7 : vector<4x1x2048xf32> to vector<4x2048xf32>
    %get3A_9 = arith.constant 0 : index
    %get3A_10 = arith.constant 2 : index
    %get3A_11 = arith.constant 0 : index
    %get3A_12 = vector.load %arg0[%get3A_9, %get3A_10, %get3A_11] : memref<4x3x2048xf32, #tpu.memory_space<vmem>>, vector<4x1x2048xf32>
    %get3A_13 = vector.shape_cast %get3A_12 : vector<4x1x2048xf32> to vector<4x2048xf32>
    %slice3A = vector.extract_strided_slice %get3A_3 {offsets = [0, 0], sizes = [4, 128], strides = [1, 1]} : vector<4x2048xf32> to vector<4x128xf32>
    %slice3A_14 = vector.extract_strided_slice %get3A_3 {offsets = [0, 128], sizes = [4, 128], strides = [1, 1]} : vector<4x2048xf32> to vector<4x128xf32>
    %slice3A_15 = vector.extract_strided_slice %get3A_3 {offsets = [0, 256], sizes = [4, 128], strides = [1, 1]} : vector<4x2048xf32> to vector<4x128xf32>
    %slice3A_16 = vector.extract_strided_slice %get3A_3 {offsets = [0, 384], sizes = [4, 128], strides = [1, 1]} : vector<4x2048xf32> to vector<4x128xf32>
    %slice3A_17 = vector.extract_strided_slice %get3A_3 {offsets = [0, 512], sizes = [4, 128], strides = [1, 1]} : vector<4x2048xf32> to vector<4x128xf32>
    %slice3A_18 = vector.extract_strided_slice %get3A_3 {offsets = [0, 640], sizes = [4, 128], strides = [1, 1]} : vector<4x2048xf32> to vector<4x128xf32>
    %slice3A_19 = vector.extract_strided_slice %get3A_3 {offsets = [0, 768], sizes = [4, 128], strides = [1, 1]} : vector<4x2048xf32> to vector<4x128xf32>
    %slice3A_20 = vector.extract_strided_slice %get3A_3 {offsets = [0, 896], sizes = [4, 128], strides = [1, 1]} : vector<4x2048xf32> to vector<4x128xf32>
    %slice3A_21 = vector.extract_strided_slice %get3A_3 {offsets = [0, 1024], sizes = [4, 128], strides = [1, 1]} : vector<4x2048xf32> to vector<4x128xf32>
    %slice3A_22 = vector.extract_strided_slice %get3A_3 {offsets = [0, 1152], sizes = [4, 128], strides = [1, 1]} : vector<4x2048xf32> to vector<4x128xf32>
    %slice3A_23 = vector.extract_strided_slice %get3A_3 {offsets = [0, 1280], sizes = [4, 128], strides = [1, 1]} : vector<4x2048xf32> to vector<4x128xf32>
    %slice3A_24 = vector.extract_strided_slice %get3A_3 {offsets = [0, 1408], sizes = [4, 128], strides = [1, 1]} : vector<4x2048xf32> to vector<4x128xf32>
    %slice3A_25 = vector.extract_strided_slice %get3A_3 {offsets = [0, 1536], sizes = [4, 128], strides = [1, 1]} : vector<4x2048xf32> to vector<4x128xf32>
    %slice3A_26 = vector.extract_strided_slice %get3A_3 {offsets = [0, 1664], sizes = [4, 128], strides = [1, 1]} : vector<4x2048xf32> to vector<4x128xf32>
    %slice3A_27 = vector.extract_strided_slice %get3A_3 {offsets = [0, 1792], sizes = [4, 128], strides = [1, 1]} : vector<4x2048xf32> to vector<4x128xf32>
    %slice3A_28 = vector.extract_strided_slice %get3A_3 {offsets = [0, 1920], sizes = [4, 128], strides = [1, 1]} : vector<4x2048xf32> to vector<4x128xf32>
    %slice3A_29 = vector.extract_strided_slice %get3A_8 {offsets = [0, 0], sizes = [4, 128], strides = [1, 1]} : vector<4x2048xf32> to vector<4x128xf32>
    %slice3A_30 = vector.extract_strided_slice %get3A_8 {offsets = [0, 128], sizes = [4, 128], strides = [1, 1]} : vector<4x2048xf32> to vector<4x128xf32>
    %slice3A_31 = vector.extract_strided_slice %get3A_8 {offsets = [0, 256], sizes = [4, 128], strides = [1, 1]} : vector<4x2048xf32> to vector<4x128xf32>
    %slice3A_32 = vector.extract_strided_slice %get3A_8 {offsets = [0, 384], sizes = [4, 128], strides = [1, 1]} : vector<4x2048xf32> to vector<4x128xf32>
    %slice3A_33 = vector.extract_strided_slice %get3A_8 {offsets = [0, 512], sizes = [4, 128], strides = [1, 1]} : vector<4x2048xf32> to vector<4x128xf32>
    %slice3A_34 = vector.extract_strided_slice %get3A_8 {offsets = [0, 640], sizes = [4, 128], strides = [1, 1]} : vector<4x2048xf32> to vector<4x128xf32>
    %slice3A_35 = vector.extract_strided_slice %get3A_8 {offsets = [0, 768], sizes = [4, 128], strides = [1, 1]} : vector<4x2048xf32> to vector<4x128xf32>
    %slice3A_36 = vector.extract_strided_slice %get3A_8 {offsets = [0, 896], sizes = [4, 128], strides = [1, 1]} : vector<4x2048xf32> to vector<4x128xf32>
    %slice3A_37 = vector.extract_strided_slice %get3A_8 {offsets = [0, 1024], sizes = [4, 128], strides = [1, 1]} : vector<4x2048xf32> to vector<4x128xf32>
    %slice3A_38 = vector.extract_strided_slice %get3A_8 {offsets = [0, 1152], sizes = [4, 128], strides = [1, 1]} : vector<4x2048xf32> to vector<4x128xf32>
    %slice3A_39 = vector.extract_strided_slice %get3A_8 {offsets = [0, 1280], sizes = [4, 128], strides = [1, 1]} : vector<4x2048xf32> to vector<4x128xf32>
    %slice3A_40 = vector.extract_strided_slice %get3A_8 {offsets = [0, 1408], sizes = [4, 128], strides = [1, 1]} : vector<4x2048xf32> to vector<4x128xf32>
    %slice3A_41 = vector.extract_strided_slice %get3A_8 {offsets = [0, 1536], sizes = [4, 128], strides = [1, 1]} : vector<4x2048xf32> to vector<4x128xf32>
    %slice3A_42 = vector.extract_strided_slice %get3A_8 {offsets = [0, 1664], sizes = [4, 128], strides = [1, 1]} : vector<4x2048xf32> to vector<4x128xf32>
    %slice3A_43 = vector.extract_strided_slice %get3A_8 {offsets = [0, 1792], sizes = [4, 128], strides = [1, 1]} : vector<4x2048xf32> to vector<4x128xf32>
    %slice3A_44 = vector.extract_strided_slice %get3A_8 {offsets = [0, 1920], sizes = [4, 128], strides = [1, 1]} : vector<4x2048xf32> to vector<4x128xf32>
    %slice3A_45 = vector.extract_strided_slice %get3A_13 {offsets = [0, 0], sizes = [4, 128], strides = [1, 1]} : vector<4x2048xf32> to vector<4x128xf32>
    %slice3A_46 = vector.extract_strided_slice %get3A_13 {offsets = [0, 128], sizes = [4, 128], strides = [1, 1]} : vector<4x2048xf32> to vector<4x128xf32>
    %slice3A_47 = vector.extract_strided_slice %get3A_13 {offsets = [0, 256], sizes = [4, 128], strides = [1, 1]} : vector<4x2048xf32> to vector<4x128xf32>
    %slice3A_48 = vector.extract_strided_slice %get3A_13 {offsets = [0, 384], sizes = [4, 128], strides = [1, 1]} : vector<4x2048xf32> to vector<4x128xf32>
    %slice3A_49 = vector.extract_strided_slice %get3A_13 {offsets = [0, 512], sizes = [4, 128], strides = [1, 1]} : vector<4x2048xf32> to vector<4x128xf32>
    %slice3A_50 = vector.extract_strided_slice %get3A_13 {offsets = [0, 640], sizes = [4, 128], strides = [1, 1]} : vector<4x2048xf32> to vector<4x128xf32>
    %slice3A_51 = vector.extract_strided_slice %get3A_13 {offsets = [0, 768], sizes = [4, 128], strides = [1, 1]} : vector<4x2048xf32> to vector<4x128xf32>
    %slice3A_52 = vector.extract_strided_slice %get3A_13 {offsets = [0, 896], sizes = [4, 128], strides = [1, 1]} : vector<4x2048xf32> to vector<4x128xf32>
    %slice3A_53 = vector.extract_strided_slice %get3A_13 {offsets = [0, 1024], sizes = [4, 128], strides = [1, 1]} : vector<4x2048xf32> to vector<4x128xf32>
    %slice3A_54 = vector.extract_strided_slice %get3A_13 {offsets = [0, 1152], sizes = [4, 128], strides = [1, 1]} : vector<4x2048xf32> to vector<4x128xf32>
    %slice3A_55 = vector.extract_strided_slice %get3A_13 {offsets = [0, 1280], sizes = [4, 128], strides = [1, 1]} : vector<4x2048xf32> to vector<4x128xf32>
    %slice3A_56 = vector.extract_strided_slice %get3A_13 {offsets = [0, 1408], sizes = [4, 128], strides = [1, 1]} : vector<4x2048xf32> to vector<4x128xf32>
    %slice3A_57 = vector.extract_strided_slice %get3A_13 {offsets = [0, 1536], sizes = [4, 128], strides = [1, 1]} : vector<4x2048xf32> to vector<4x128xf32>
    %slice3A_58 = vector.extract_strided_slice %get3A_13 {offsets = [0, 1664], sizes = [4, 128], strides = [1, 1]} : vector<4x2048xf32> to vector<4x128xf32>
    %slice3A_59 = vector.extract_strided_slice %get3A_13 {offsets = [0, 1792], sizes = [4, 128], strides = [1, 1]} : vector<4x2048xf32> to vector<4x128xf32>
    %slice3A_60 = vector.extract_strided_slice %get3A_13 {offsets = [0, 1920], sizes = [4, 128], strides = [1, 1]} : vector<4x2048xf32> to vector<4x128xf32>
    %iota3A = tpu.iota {dimensions = array<i32: 1>} : vector<4x128xi32>
    %add3A = arith.constant 0 : i32
    %add3A_61 = vector.broadcast %add3A : i32 to vector<4x128xi32>
    %add3A_62 = arith.addi %iota3A, %add3A_61 : vector<4x128xi32>
    %add3A_63 = arith.constant 128 : i32
    %add3A_64 = vector.broadcast %add3A_63 : i32 to vector<4x128xi32>
    %add3A_65 = arith.addi %iota3A, %add3A_64 : vector<4x128xi32>
    %add3A_66 = arith.constant 256 : i32
    %add3A_67 = vector.broadcast %add3A_66 : i32 to vector<4x128xi32>
    %add3A_68 = arith.addi %iota3A, %add3A_67 : vector<4x128xi32>
    %add3A_69 = arith.constant 384 : i32
    %add3A_70 = vector.broadcast %add3A_69 : i32 to vector<4x128xi32>
    %add3A_71 = arith.addi %iota3A, %add3A_70 : vector<4x128xi32>
    %add3A_72 = arith.constant 512 : i32
    %add3A_73 = vector.broadcast %add3A_72 : i32 to vector<4x128xi32>
    %add3A_74 = arith.addi %iota3A, %add3A_73 : vector<4x128xi32>
    %add3A_75 = arith.constant 640 : i32
    %add3A_76 = vector.broadcast %add3A_75 : i32 to vector<4x128xi32>
    %add3A_77 = arith.addi %iota3A, %add3A_76 : vector<4x128xi32>
    %add3A_78 = arith.constant 768 : i32
    %add3A_79 = vector.broadcast %add3A_78 : i32 to vector<4x128xi32>
    %add3A_80 = arith.addi %iota3A, %add3A_79 : vector<4x128xi32>
    %add3A_81 = arith.constant 896 : i32
    %add3A_82 = vector.broadcast %add3A_81 : i32 to vector<4x128xi32>
    %add3A_83 = arith.addi %iota3A, %add3A_82 : vector<4x128xi32>
    %add3A_84 = arith.constant 1024 : i32
    %add3A_85 = vector.broadcast %add3A_84 : i32 to vector<4x128xi32>
    %add3A_86 = arith.addi %iota3A, %add3A_85 : vector<4x128xi32>
    %add3A_87 = arith.constant 1152 : i32
    %add3A_88 = vector.broadcast %add3A_87 : i32 to vector<4x128xi32>
    %add3A_89 = arith.addi %iota3A, %add3A_88 : vector<4x128xi32>
    %add3A_90 = arith.constant 1280 : i32
    %add3A_91 = vector.broadcast %add3A_90 : i32 to vector<4x128xi32>
    %add3A_92 = arith.addi %iota3A, %add3A_91 : vector<4x128xi32>
    %add3A_93 = arith.constant 1408 : i32
    %add3A_94 = vector.broadcast %add3A_93 : i32 to vector<4x128xi32>
    %add3A_95 = arith.addi %iota3A, %add3A_94 : vector<4x128xi32>
    %add3A_96 = arith.constant 1536 : i32
    %add3A_97 = vector.broadcast %add3A_96 : i32 to vector<4x128xi32>
    %add3A_98 = arith.addi %iota3A, %add3A_97 : vector<4x128xi32>
    %add3A_99 = arith.constant 1664 : i32
    %add3A_100 = vector.broadcast %add3A_99 : i32 to vector<4x128xi32>
    %add3A_101 = arith.addi %iota3A, %add3A_100 : vector<4x128xi32>
    %add3A_102 = arith.constant 1792 : i32
    %add3A_103 = vector.broadcast %add3A_102 : i32 to vector<4x128xi32>
    %add3A_104 = arith.addi %iota3A, %add3A_103 : vector<4x128xi32>
    %add3A_105 = arith.constant 1920 : i32
    %add3A_106 = vector.broadcast %add3A_105 : i32 to vector<4x128xi32>
    %add3A_107 = arith.addi %iota3A, %add3A_106 : vector<4x128xi32>
    %broadcast_in_dim3A = arith.constant 1.000000e+10 : f32
    %broadcast_in_dim3A_108 = vector.broadcast %broadcast_in_dim3A : f32 to vector<4x2048xf32>
    %broadcast_in_dim3A_109 = arith.constant 0 : i32
    %broadcast_in_dim3A_110 = vector.broadcast %broadcast_in_dim3A_109 : i32 to vector<4x1xi32>
    %slice3A_111 = vector.extract_strided_slice %get3A_3 {offsets = [0, 0], sizes = [4, 1], strides = [1, 1]} : vector<4x2048xf32> to vector<4x1xf32>
    %slice3A_112 = vector.extract_strided_slice %get3A_8 {offsets = [0, 0], sizes = [4, 1], strides = [1, 1]} : vector<4x2048xf32> to vector<4x1xf32>
    %slice3A_113 = vector.extract_strided_slice %get3A_13 {offsets = [0, 0], sizes = [4, 1], strides = [1, 1]} : vector<4x2048xf32> to vector<4x1xf32>
    %scan3A = arith.constant 0 : i32
    %scan3A_114 = arith.constant 256 : i32
    %scan3A_115 = arith.addi %scan3A, %scan3A_114 : i32
    %scan3A_116 = arith.constant 1 : i32
    %scan3A_117:5 = scf.for %scan3A_119 = %scan3A to %scan3A_115 step %scan3A_116 iter_args(%scan3A_120 = %broadcast_in_dim3A_108, %scan3A_121 = %broadcast_in_dim3A_110, %scan3A_122 = %slice3A_111, %scan3A_123 = %slice3A_112, %scan3A_124 = %slice3A_113) -> (vector<4x2048xf32>, vector<4x1xi32>, vector<4x1xf32>, vector<4x1xf32>, vector<4x1xf32>)  : i32 {
      %slice3A_125 = vector.extract_strided_slice %scan3A_121 {offsets = [0, 0], sizes = [1, 1], strides = [1, 1]} : vector<4x1xi32> to vector<1x1xi32>
      %squeeze3A = vector.extract %slice3A_125[0, 0] : i32 from vector<1x1xi32>
      %swap3A = arith.constant 0 : index
      %swap3A_126 = arith.index_cast %scan3A_119 : i32 to index
      %swap3A_127 = memref.load %arg1[%swap3A, %swap3A_126] : memref<4x256xi32, #tpu.memory_space<smem>>
      memref.store %squeeze3A, %arg1[%swap3A, %swap3A_126] : memref<4x256xi32, #tpu.memory_space<smem>>
      %slice3A_128 = vector.extract_strided_slice %scan3A_121 {offsets = [1, 0], sizes = [1, 1], strides = [1, 1]} : vector<4x1xi32> to vector<1x1xi32>
      %squeeze3A_129 = vector.extract %slice3A_128[0, 0] : i32 from vector<1x1xi32>
      %swap3A_130 = arith.constant 1 : index
      %swap3A_131 = arith.index_cast %scan3A_119 : i32 to index
      %swap3A_132 = memref.load %arg1[%swap3A_130, %swap3A_131] : memref<4x256xi32, #tpu.memory_space<smem>>
      memref.store %squeeze3A_129, %arg1[%swap3A_130, %swap3A_131] : memref<4x256xi32, #tpu.memory_space<smem>>
      %slice3A_133 = vector.extract_strided_slice %scan3A_121 {offsets = [2, 0], sizes = [1, 1], strides = [1, 1]} : vector<4x1xi32> to vector<1x1xi32>
      %squeeze3A_134 = vector.extract %slice3A_133[0, 0] : i32 from vector<1x1xi32>
      %swap3A_135 = arith.constant 2 : index
      %swap3A_136 = arith.index_cast %scan3A_119 : i32 to index
      %swap3A_137 = memref.load %arg1[%swap3A_135, %swap3A_136] : memref<4x256xi32, #tpu.memory_space<smem>>
      memref.store %squeeze3A_134, %arg1[%swap3A_135, %swap3A_136] : memref<4x256xi32, #tpu.memory_space<smem>>
      %slice3A_138 = vector.extract_strided_slice %scan3A_121 {offsets = [3, 0], sizes = [1, 1], strides = [1, 1]} : vector<4x1xi32> to vector<1x1xi32>
      %squeeze3A_139 = vector.extract %slice3A_138[0, 0] : i32 from vector<1x1xi32>
      %swap3A_140 = arith.constant 3 : index
      %swap3A_141 = arith.index_cast %scan3A_119 : i32 to index
      %swap3A_142 = memref.load %arg1[%swap3A_140, %swap3A_141] : memref<4x256xi32, #tpu.memory_space<smem>>
      memref.store %squeeze3A_139, %arg1[%swap3A_140, %swap3A_141] : memref<4x256xi32, #tpu.memory_space<smem>>
      %sub3A = vector.broadcast %scan3A_122 : vector<4x1xf32> to vector<4x2048xf32>
      %sub3A_143 = arith.subf %get3A_3, %sub3A : vector<4x2048xf32>
      %integer_pow3A = arith.mulf %sub3A_143, %sub3A_143 : vector<4x2048xf32>
      %sub3A_144 = vector.broadcast %scan3A_123 : vector<4x1xf32> to vector<4x2048xf32>
      %sub3A_145 = arith.subf %get3A_8, %sub3A_144 : vector<4x2048xf32>
      %integer_pow3A_146 = arith.mulf %sub3A_145, %sub3A_145 : vector<4x2048xf32>
      %add3A_147 = arith.addf %integer_pow3A, %integer_pow3A_146 : vector<4x2048xf32>
      %sub3A_148 = vector.broadcast %scan3A_124 : vector<4x1xf32> to vector<4x2048xf32>
      %sub3A_149 = arith.subf %get3A_13, %sub3A_148 : vector<4x2048xf32>
      %integer_pow3A_150 = arith.mulf %sub3A_149, %sub3A_149 : vector<4x2048xf32>
      %add3A_151 = arith.addf %add3A_147, %integer_pow3A_150 : vector<4x2048xf32>
      %min3A = arith.minimumf %scan3A_120, %add3A_151 : vector<4x2048xf32>
      %slice3A_152 = vector.extract_strided_slice %min3A {offsets = [0, 0], sizes = [4, 128], strides = [1, 1]} : vector<4x2048xf32> to vector<4x128xf32>
      %slice3A_153 = vector.extract_strided_slice %min3A {offsets = [0, 128], sizes = [4, 128], strides = [1, 1]} : vector<4x2048xf32> to vector<4x128xf32>
      %slice3A_154 = vector.extract_strided_slice %min3A {offsets = [0, 256], sizes = [4, 128], strides = [1, 1]} : vector<4x2048xf32> to vector<4x128xf32>
      %slice3A_155 = vector.extract_strided_slice %min3A {offsets = [0, 384], sizes = [4, 128], strides = [1, 1]} : vector<4x2048xf32> to vector<4x128xf32>
      %slice3A_156 = vector.extract_strided_slice %min3A {offsets = [0, 512], sizes = [4, 128], strides = [1, 1]} : vector<4x2048xf32> to vector<4x128xf32>
      %slice3A_157 = vector.extract_strided_slice %min3A {offsets = [0, 640], sizes = [4, 128], strides = [1, 1]} : vector<4x2048xf32> to vector<4x128xf32>
      %slice3A_158 = vector.extract_strided_slice %min3A {offsets = [0, 768], sizes = [4, 128], strides = [1, 1]} : vector<4x2048xf32> to vector<4x128xf32>
      %slice3A_159 = vector.extract_strided_slice %min3A {offsets = [0, 896], sizes = [4, 128], strides = [1, 1]} : vector<4x2048xf32> to vector<4x128xf32>
      %slice3A_160 = vector.extract_strided_slice %min3A {offsets = [0, 1024], sizes = [4, 128], strides = [1, 1]} : vector<4x2048xf32> to vector<4x128xf32>
      %slice3A_161 = vector.extract_strided_slice %min3A {offsets = [0, 1152], sizes = [4, 128], strides = [1, 1]} : vector<4x2048xf32> to vector<4x128xf32>
      %slice3A_162 = vector.extract_strided_slice %min3A {offsets = [0, 1280], sizes = [4, 128], strides = [1, 1]} : vector<4x2048xf32> to vector<4x128xf32>
      %slice3A_163 = vector.extract_strided_slice %min3A {offsets = [0, 1408], sizes = [4, 128], strides = [1, 1]} : vector<4x2048xf32> to vector<4x128xf32>
      %slice3A_164 = vector.extract_strided_slice %min3A {offsets = [0, 1536], sizes = [4, 128], strides = [1, 1]} : vector<4x2048xf32> to vector<4x128xf32>
      %slice3A_165 = vector.extract_strided_slice %min3A {offsets = [0, 1664], sizes = [4, 128], strides = [1, 1]} : vector<4x2048xf32> to vector<4x128xf32>
      %slice3A_166 = vector.extract_strided_slice %min3A {offsets = [0, 1792], sizes = [4, 128], strides = [1, 1]} : vector<4x2048xf32> to vector<4x128xf32>
      %slice3A_167 = vector.extract_strided_slice %min3A {offsets = [0, 1920], sizes = [4, 128], strides = [1, 1]} : vector<4x2048xf32> to vector<4x128xf32>
      %gt3A = arith.cmpf ogt, %slice3A_153, %slice3A_152 : vector<4x128xf32>
      %select_n3A = arith.select %gt3A, %slice3A_153, %slice3A_152 : vector<4x128xi1>, vector<4x128xf32>
      %select_n3A_168 = arith.select %gt3A, %add3A_65, %add3A_62 : vector<4x128xi1>, vector<4x128xi32>
      %select_n3A_169 = arith.select %gt3A, %slice3A_14, %slice3A : vector<4x128xi1>, vector<4x128xf32>
      %select_n3A_170 = arith.select %gt3A, %slice3A_30, %slice3A_29 : vector<4x128xi1>, vector<4x128xf32>
      %select_n3A_171 = arith.select %gt3A, %slice3A_46, %slice3A_45 : vector<4x128xi1>, vector<4x128xf32>
      %gt3A_172 = arith.cmpf ogt, %slice3A_155, %slice3A_154 : vector<4x128xf32>
      %select_n3A_173 = arith.select %gt3A_172, %slice3A_155, %slice3A_154 : vector<4x128xi1>, vector<4x128xf32>
      %select_n3A_174 = arith.select %gt3A_172, %add3A_71, %add3A_68 : vector<4x128xi1>, vector<4x128xi32>
      %select_n3A_175 = arith.select %gt3A_172, %slice3A_16, %slice3A_15 : vector<4x128xi1>, vector<4x128xf32>
      %select_n3A_176 = arith.select %gt3A_172, %slice3A_32, %slice3A_31 : vector<4x128xi1>, vector<4x128xf32>
      %select_n3A_177 = arith.select %gt3A_172, %slice3A_48, %slice3A_47 : vector<4x128xi1>, vector<4x128xf32>
      %gt3A_178 = arith.cmpf ogt, %slice3A_157, %slice3A_156 : vector<4x128xf32>
      %select_n3A_179 = arith.select %gt3A_178, %slice3A_157, %slice3A_156 : vector<4x128xi1>, vector<4x128xf32>
      %select_n3A_180 = arith.select %gt3A_178, %add3A_77, %add3A_74 : vector<4x128xi1>, vector<4x128xi32>
      %select_n3A_181 = arith.select %gt3A_178, %slice3A_18, %slice3A_17 : vector<4x128xi1>, vector<4x128xf32>
      %select_n3A_182 = arith.select %gt3A_178, %slice3A_34, %slice3A_33 : vector<4x128xi1>, vector<4x128xf32>
      %select_n3A_183 = arith.select %gt3A_178, %slice3A_50, %slice3A_49 : vector<4x128xi1>, vector<4x128xf32>
      %gt3A_184 = arith.cmpf ogt, %slice3A_159, %slice3A_158 : vector<4x128xf32>
      %select_n3A_185 = arith.select %gt3A_184, %slice3A_159, %slice3A_158 : vector<4x128xi1>, vector<4x128xf32>
      %select_n3A_186 = arith.select %gt3A_184, %add3A_83, %add3A_80 : vector<4x128xi1>, vector<4x128xi32>
      %select_n3A_187 = arith.select %gt3A_184, %slice3A_20, %slice3A_19 : vector<4x128xi1>, vector<4x128xf32>
      %select_n3A_188 = arith.select %gt3A_184, %slice3A_36, %slice3A_35 : vector<4x128xi1>, vector<4x128xf32>
      %select_n3A_189 = arith.select %gt3A_184, %slice3A_52, %slice3A_51 : vector<4x128xi1>, vector<4x128xf32>
      %gt3A_190 = arith.cmpf ogt, %slice3A_161, %slice3A_160 : vector<4x128xf32>
      %select_n3A_191 = arith.select %gt3A_190, %slice3A_161, %slice3A_160 : vector<4x128xi1>, vector<4x128xf32>
      %select_n3A_192 = arith.select %gt3A_190, %add3A_89, %add3A_86 : vector<4x128xi1>, vector<4x128xi32>
      %select_n3A_193 = arith.select %gt3A_190, %slice3A_22, %slice3A_21 : vector<4x128xi1>, vector<4x128xf32>
      %select_n3A_194 = arith.select %gt3A_190, %slice3A_38, %slice3A_37 : vector<4x128xi1>, vector<4x128xf32>
      %select_n3A_195 = arith.select %gt3A_190, %slice3A_54, %slice3A_53 : vector<4x128xi1>, vector<4x128xf32>
      %gt3A_196 = arith.cmpf ogt, %slice3A_163, %slice3A_162 : vector<4x128xf32>
      %select_n3A_197 = arith.select %gt3A_196, %slice3A_163, %slice3A_162 : vector<4x128xi1>, vector<4x128xf32>
      %select_n3A_198 = arith.select %gt3A_196, %add3A_95, %add3A_92 : vector<4x128xi1>, vector<4x128xi32>
      %select_n3A_199 = arith.select %gt3A_196, %slice3A_24, %slice3A_23 : vector<4x128xi1>, vector<4x128xf32>
      %select_n3A_200 = arith.select %gt3A_196, %slice3A_40, %slice3A_39 : vector<4x128xi1>, vector<4x128xf32>
      %select_n3A_201 = arith.select %gt3A_196, %slice3A_56, %slice3A_55 : vector<4x128xi1>, vector<4x128xf32>
      %gt3A_202 = arith.cmpf ogt, %slice3A_165, %slice3A_164 : vector<4x128xf32>
      %select_n3A_203 = arith.select %gt3A_202, %slice3A_165, %slice3A_164 : vector<4x128xi1>, vector<4x128xf32>
      %select_n3A_204 = arith.select %gt3A_202, %add3A_101, %add3A_98 : vector<4x128xi1>, vector<4x128xi32>
      %select_n3A_205 = arith.select %gt3A_202, %slice3A_26, %slice3A_25 : vector<4x128xi1>, vector<4x128xf32>
      %select_n3A_206 = arith.select %gt3A_202, %slice3A_42, %slice3A_41 : vector<4x128xi1>, vector<4x128xf32>
      %select_n3A_207 = arith.select %gt3A_202, %slice3A_58, %slice3A_57 : vector<4x128xi1>, vector<4x128xf32>
      %gt3A_208 = arith.cmpf ogt, %slice3A_167, %slice3A_166 : vector<4x128xf32>
      %select_n3A_209 = arith.select %gt3A_208, %slice3A_167, %slice3A_166 : vector<4x128xi1>, vector<4x128xf32>
      %select_n3A_210 = arith.select %gt3A_208, %add3A_107, %add3A_104 : vector<4x128xi1>, vector<4x128xi32>
      %select_n3A_211 = arith.select %gt3A_208, %slice3A_28, %slice3A_27 : vector<4x128xi1>, vector<4x128xf32>
      %select_n3A_212 = arith.select %gt3A_208, %slice3A_44, %slice3A_43 : vector<4x128xi1>, vector<4x128xf32>
      %select_n3A_213 = arith.select %gt3A_208, %slice3A_60, %slice3A_59 : vector<4x128xi1>, vector<4x128xf32>
      %gt3A_214 = arith.cmpf ogt, %select_n3A_173, %select_n3A : vector<4x128xf32>
      %select_n3A_215 = arith.select %gt3A_214, %select_n3A_173, %select_n3A : vector<4x128xi1>, vector<4x128xf32>
      %select_n3A_216 = arith.select %gt3A_214, %select_n3A_174, %select_n3A_168 : vector<4x128xi1>, vector<4x128xi32>
      %select_n3A_217 = arith.select %gt3A_214, %select_n3A_175, %select_n3A_169 : vector<4x128xi1>, vector<4x128xf32>
      %select_n3A_218 = arith.select %gt3A_214, %select_n3A_176, %select_n3A_170 : vector<4x128xi1>, vector<4x128xf32>
      %select_n3A_219 = arith.select %gt3A_214, %select_n3A_177, %select_n3A_171 : vector<4x128xi1>, vector<4x128xf32>
      %gt3A_220 = arith.cmpf ogt, %select_n3A_185, %select_n3A_179 : vector<4x128xf32>
      %select_n3A_221 = arith.select %gt3A_220, %select_n3A_185, %select_n3A_179 : vector<4x128xi1>, vector<4x128xf32>
      %select_n3A_222 = arith.select %gt3A_220, %select_n3A_186, %select_n3A_180 : vector<4x128xi1>, vector<4x128xi32>
      %select_n3A_223 = arith.select %gt3A_220, %select_n3A_187, %select_n3A_181 : vector<4x128xi1>, vector<4x128xf32>
      %select_n3A_224 = arith.select %gt3A_220, %select_n3A_188, %select_n3A_182 : vector<4x128xi1>, vector<4x128xf32>
      %select_n3A_225 = arith.select %gt3A_220, %select_n3A_189, %select_n3A_183 : vector<4x128xi1>, vector<4x128xf32>
      %gt3A_226 = arith.cmpf ogt, %select_n3A_197, %select_n3A_191 : vector<4x128xf32>
      %select_n3A_227 = arith.select %gt3A_226, %select_n3A_197, %select_n3A_191 : vector<4x128xi1>, vector<4x128xf32>
      %select_n3A_228 = arith.select %gt3A_226, %select_n3A_198, %select_n3A_192 : vector<4x128xi1>, vector<4x128xi32>
      %select_n3A_229 = arith.select %gt3A_226, %select_n3A_199, %select_n3A_193 : vector<4x128xi1>, vector<4x128xf32>
      %select_n3A_230 = arith.select %gt3A_226, %select_n3A_200, %select_n3A_194 : vector<4x128xi1>, vector<4x128xf32>
      %select_n3A_231 = arith.select %gt3A_226, %select_n3A_201, %select_n3A_195 : vector<4x128xi1>, vector<4x128xf32>
      %gt3A_232 = arith.cmpf ogt, %select_n3A_209, %select_n3A_203 : vector<4x128xf32>
      %select_n3A_233 = arith.select %gt3A_232, %select_n3A_209, %select_n3A_203 : vector<4x128xi1>, vector<4x128xf32>
      %select_n3A_234 = arith.select %gt3A_232, %select_n3A_210, %select_n3A_204 : vector<4x128xi1>, vector<4x128xi32>
      %select_n3A_235 = arith.select %gt3A_232, %select_n3A_211, %select_n3A_205 : vector<4x128xi1>, vector<4x128xf32>
      %select_n3A_236 = arith.select %gt3A_232, %select_n3A_212, %select_n3A_206 : vector<4x128xi1>, vector<4x128xf32>
      %select_n3A_237 = arith.select %gt3A_232, %select_n3A_213, %select_n3A_207 : vector<4x128xi1>, vector<4x128xf32>
      %gt3A_238 = arith.cmpf ogt, %select_n3A_221, %select_n3A_215 : vector<4x128xf32>
      %select_n3A_239 = arith.select %gt3A_238, %select_n3A_221, %select_n3A_215 : vector<4x128xi1>, vector<4x128xf32>
      %select_n3A_240 = arith.select %gt3A_238, %select_n3A_222, %select_n3A_216 : vector<4x128xi1>, vector<4x128xi32>
      %select_n3A_241 = arith.select %gt3A_238, %select_n3A_223, %select_n3A_217 : vector<4x128xi1>, vector<4x128xf32>
      %select_n3A_242 = arith.select %gt3A_238, %select_n3A_224, %select_n3A_218 : vector<4x128xi1>, vector<4x128xf32>
      %select_n3A_243 = arith.select %gt3A_238, %select_n3A_225, %select_n3A_219 : vector<4x128xi1>, vector<4x128xf32>
      %gt3A_244 = arith.cmpf ogt, %select_n3A_233, %select_n3A_227 : vector<4x128xf32>
      %select_n3A_245 = arith.select %gt3A_244, %select_n3A_233, %select_n3A_227 : vector<4x128xi1>, vector<4x128xf32>
      %select_n3A_246 = arith.select %gt3A_244, %select_n3A_234, %select_n3A_228 : vector<4x128xi1>, vector<4x128xi32>
      %select_n3A_247 = arith.select %gt3A_244, %select_n3A_235, %select_n3A_229 : vector<4x128xi1>, vector<4x128xf32>
      %select_n3A_248 = arith.select %gt3A_244, %select_n3A_236, %select_n3A_230 : vector<4x128xi1>, vector<4x128xf32>
      %select_n3A_249 = arith.select %gt3A_244, %select_n3A_237, %select_n3A_231 : vector<4x128xi1>, vector<4x128xf32>
      %gt3A_250 = arith.cmpf ogt, %select_n3A_245, %select_n3A_239 : vector<4x128xf32>
      %select_n3A_251 = arith.select %gt3A_250, %select_n3A_245, %select_n3A_239 : vector<4x128xi1>, vector<4x128xf32>
      %select_n3A_252 = arith.select %gt3A_250, %select_n3A_246, %select_n3A_240 : vector<4x128xi1>, vector<4x128xi32>
      %select_n3A_253 = arith.select %gt3A_250, %select_n3A_247, %select_n3A_241 : vector<4x128xi1>, vector<4x128xf32>
      %select_n3A_254 = arith.select %gt3A_250, %select_n3A_248, %select_n3A_242 : vector<4x128xi1>, vector<4x128xf32>
      %select_n3A_255 = arith.select %gt3A_250, %select_n3A_249, %select_n3A_243 : vector<4x128xi1>, vector<4x128xf32>
      %reduce_max3A = arith.constant dense<0xFF800000> : vector<4xf32>
      %reduce_max3A_256 = vector.multi_reduction <maximumf>, %select_n3A_251, %reduce_max3A [1] : vector<4x128xf32> to vector<4xf32>
      %broadcast_in_dim3A_257 = vector.shape_cast %reduce_max3A_256 : vector<4xf32> to vector<4x1xf32>
      %eq3A = vector.broadcast %broadcast_in_dim3A_257 : vector<4x1xf32> to vector<4x128xf32>
      %eq3A_258 = arith.cmpf oeq, %select_n3A_251, %eq3A : vector<4x128xf32>
      %jit3A = arith.constant 2048 : i32
      %broadcast_in_dim3A_259 = vector.broadcast %jit3A : i32 to vector<4x128xi32>
      %select_n3A_260 = arith.select %eq3A_258, %select_n3A_252, %broadcast_in_dim3A_259 : vector<4x128xi1>, vector<4x128xi32>
      %reduce_min3A = arith.constant dense<2147483647> : vector<4xi32>
      %reduce_min3A_261 = vector.multi_reduction <minsi>, %select_n3A_260, %reduce_min3A [1] : vector<4x128xi32> to vector<4xi32>
      %broadcast_in_dim3A_262 = vector.shape_cast %reduce_min3A_261 : vector<4xi32> to vector<4x1xi32>
      %eq3A_263 = vector.broadcast %broadcast_in_dim3A_262 : vector<4x1xi32> to vector<4x128xi32>
      %eq3A_264 = arith.cmpi eq, %select_n3A_252, %eq3A_263 : vector<4x128xi32>
      %jit3A_265 = arith.constant 3.000000e+38 : f32
      %broadcast_in_dim3A_266 = vector.broadcast %jit3A_265 : f32 to vector<4x128xf32>
      %select_n3A_267 = arith.select %eq3A_264, %select_n3A_253, %broadcast_in_dim3A_266 : vector<4x128xi1>, vector<4x128xf32>
      %reduce_min3A_268 = arith.constant dense<0x7F800000> : vector<4xf32>
      %reduce_min3A_269 = vector.multi_reduction <minimumf>, %select_n3A_267, %reduce_min3A_268 [1] : vector<4x128xf32> to vector<4xf32>
      %broadcast_in_dim3A_270 = vector.shape_cast %reduce_min3A_269 : vector<4xf32> to vector<4x1xf32>
      %jit3A_271 = arith.constant 3.000000e+38 : f32
      %broadcast_in_dim3A_272 = vector.broadcast %jit3A_271 : f32 to vector<4x128xf32>
      %select_n3A_273 = arith.select %eq3A_264, %select_n3A_254, %broadcast_in_dim3A_272 : vector<4x128xi1>, vector<4x128xf32>
      %reduce_min3A_274 = arith.constant dense<0x7F800000> : vector<4xf32>
      %reduce_min3A_275 = vector.multi_reduction <minimumf>, %select_n3A_273, %reduce_min3A_274 [1] : vector<4x128xf32> to vector<4xf32>
      %broadcast_in_dim3A_276 = vector.shape_cast %reduce_min3A_275 : vector<4xf32> to vector<4x1xf32>
      %jit3A_277 = arith.constant 3.000000e+38 : f32
      %broadcast_in_dim3A_278 = vector.broadcast %jit3A_277 : f32 to vector<4x128xf32>
      %select_n3A_279 = arith.select %eq3A_264, %select_n3A_255, %broadcast_in_dim3A_278 : vector<4x128xi1>, vector<4x128xf32>
      %reduce_min3A_280 = arith.constant dense<0x7F800000> : vector<4xf32>
      %reduce_min3A_281 = vector.multi_reduction <minimumf>, %select_n3A_279, %reduce_min3A_280 [1] : vector<4x128xf32> to vector<4xf32>
      %broadcast_in_dim3A_282 = vector.shape_cast %reduce_min3A_281 : vector<4xf32> to vector<4x1xf32>
      scf.yield %min3A, %broadcast_in_dim3A_262, %broadcast_in_dim3A_270, %broadcast_in_dim3A_276, %broadcast_in_dim3A_282 : vector<4x2048xf32>, vector<4x1xi32>, vector<4x1xf32>, vector<4x1xf32>, vector<4x1xf32>
    }
    %scan3A_118 = arith.constant 256 : i32
    return
  }
}

module attributes {stable_mosaic.version = 14 : i64} {
  func.func @_conv2_kernel(%arg0: i32, %arg1: memref<2048x256xf32, #tpu.memory_space<vmem>>, %arg2: memref<8x256xf32, #tpu.memory_space<vmem>>, %arg3: memref<1x256xf32, #tpu.memory_space<vmem>>, %arg4: memref<1x256xf32, #tpu.memory_space<vmem>>, %arg5: memref<256x256xf32, #tpu.memory_space<vmem>>, %arg6: memref<64x256xf32, #tpu.memory_space<vmem>>, %arg7: memref<64x256xf32, #tpu.memory_space<vmem>>, %arg8: memref<8x256xf32, #tpu.memory_space<vmem>>) attributes {dimension_semantics = [#tpu.dimension_semantics<arbitrary>], iteration_bounds = array<i64: 16>, scalar_prefetch = 0 : i64, scratch_operands = 0 : i64, tpu.core_type = #tpu.core_type<tc>, window_params = [{transform_indices = @transform_0, window_bounds = array<i64: 2048, 256>}, {pipeline_mode = #tpu.pipeline_mode<synchronous>, transform_indices = @transform_1, window_bounds = array<i64: 8, 256>}, {pipeline_mode = #tpu.pipeline_mode<synchronous>, transform_indices = @transform_2, window_bounds = array<i64: 1, 256>}, {pipeline_mode = #tpu.pipeline_mode<synchronous>, transform_indices = @transform_3, window_bounds = array<i64: 1, 256>}, {pipeline_mode = #tpu.pipeline_mode<synchronous>, transform_indices = @transform_4, window_bounds = array<i64: 256, 256>}, {transform_indices = @transform_5, window_bounds = array<i64: 64, 256>}, {transform_indices = @transform_6, window_bounds = array<i64: 64, 256>}, {pipeline_mode = #tpu.pipeline_mode<synchronous>, transform_indices = @transform_7, window_bounds = array<i64: 8, 256>}]} {
    %get3A = arith.constant 0 : index
    %get3A_0 = arith.constant 0 : index
    %get3A_1 = vector.load %arg2[%get3A, %get3A_0] : memref<8x256xf32, #tpu.memory_space<vmem>>, vector<1x256xf32>
    %mul3A = arith.constant 3.05175781E-5 : f32
    %mul3A_2 = vector.broadcast %mul3A : f32 to vector<1x256xf32>
    %mul3A_3 = arith.mulf %get3A_1, %mul3A_2 : vector<1x256xf32>
    %get3A_4 = arith.constant 1 : index
    %get3A_5 = arith.constant 0 : index
    %get3A_6 = vector.load %arg2[%get3A_4, %get3A_5] : memref<8x256xf32, #tpu.memory_space<vmem>>, vector<1x256xf32>
    %mul3A_7 = arith.constant 3.05175781E-5 : f32
    %mul3A_8 = vector.broadcast %mul3A_7 : f32 to vector<1x256xf32>
    %mul3A_9 = arith.mulf %get3A_6, %mul3A_8 : vector<1x256xf32>
    %mul3A_10 = arith.mulf %mul3A_3, %mul3A_3 : vector<1x256xf32>
    %sub3A = arith.subf %mul3A_9, %mul3A_10 : vector<1x256xf32>
    %get3A_11 = arith.constant 0 : index
    %get3A_12 = arith.constant 0 : index
    %get3A_13 = vector.load %arg3[%get3A_11, %get3A_12] : memref<1x256xf32, #tpu.memory_space<vmem>>, vector<1x256xf32>
    %add3A = arith.constant 9.99999974E-6 : f32
    %add3A_14 = vector.broadcast %add3A : f32 to vector<1x256xf32>
    %add3A_15 = arith.addf %sub3A, %add3A_14 : vector<1x256xf32>
    %sqrt3A = math.sqrt %add3A_15 : vector<1x256xf32>
    %div3A = arith.divf %get3A_13, %sqrt3A : vector<1x256xf32>
    %get3A_16 = arith.constant 0 : index
    %get3A_17 = arith.constant 0 : index
    %get3A_18 = vector.load %arg4[%get3A_16, %get3A_17] : memref<1x256xf32, #tpu.memory_space<vmem>>, vector<1x256xf32>
    %mul3A_19 = arith.mulf %mul3A_3, %div3A : vector<1x256xf32>
    %sub3A_20 = arith.subf %get3A_18, %mul3A_19 : vector<1x256xf32>
    %get3A_21 = arith.constant 0 : index
    %get3A_22 = arith.constant 0 : index
    %get3A_23 = vector.load %arg1[%get3A_21, %get3A_22] : memref<2048x256xf32, #tpu.memory_space<vmem>>, vector<2048x256xf32>
    %mul3A_24 = vector.broadcast %div3A : vector<1x256xf32> to vector<2048x256xf32>
    %mul3A_25 = arith.mulf %get3A_23, %mul3A_24 : vector<2048x256xf32>
    %add3A_26 = vector.broadcast %sub3A_20 : vector<1x256xf32> to vector<2048x256xf32>
    %add3A_27 = arith.addf %mul3A_25, %add3A_26 : vector<2048x256xf32>
    %max3A = arith.constant 0.000000e+00 : f32
    %max3A_28 = vector.broadcast %max3A : f32 to vector<2048x256xf32>
    %max3A_29 = arith.maximumf %add3A_27, %max3A_28 : vector<2048x256xf32>
    %convert_element_type3A = arith.truncf %max3A_29 : vector<2048x256xf32> to vector<2048x256xbf16>
    %get3A_30 = arith.constant 0 : index
    %get3A_31 = arith.constant 0 : index
    %get3A_32 = vector.load %arg5[%get3A_30, %get3A_31] : memref<256x256xf32, #tpu.memory_space<vmem>>, vector<256x256xf32>
    %convert_element_type3A_33 = arith.truncf %get3A_32 : vector<256x256xf32> to vector<256x256xbf16>
    %dot_general3A = arith.constant dense<0.000000e+00> : vector<2048x256xf32>
    %dot_general3A_34 = tpu.matmul %convert_element_type3A, %convert_element_type3A_33, %dot_general3A {dimension_numbers = #tpu.dot_dimension_numbers<[1], [0], [0], [1], [0, 0, 1, 1], [], []>, transpose_lhs_hint = false} : vector<2048x256xbf16>, vector<256x256xbf16>, vector<2048x256xf32> -> vector<2048x256xf32>
    %eq3A = arith.constant 0 : i32
    %eq3A_35 = arith.cmpi eq, %arg0, %eq3A : i32
    %convert_element_type3A_36 = arith.extui %eq3A_35 : i1 to i32
    %cond3A = arith.constant 0 : i32
    %cond3A_37 = arith.cmpi ne, %convert_element_type3A_36, %cond3A : i32
    scf.if %cond3A_37 {
      %broadcast_in_dim3A_64 = arith.constant 0.000000e+00 : f32
      %broadcast_in_dim3A_65 = vector.broadcast %broadcast_in_dim3A_64 : f32 to vector<8x256xf32>
      %swap3A_66 = arith.constant 0 : index
      %swap3A_67 = arith.constant 0 : index
      %swap3A_68 = vector.load %arg8[%swap3A_66, %swap3A_67] : memref<8x256xf32, #tpu.memory_space<vmem>>, vector<8x256xf32>
      tpu.vector_store %arg8[%swap3A_66, %swap3A_67], %broadcast_in_dim3A_65 {strides = array<i32>} : memref<8x256xf32, #tpu.memory_space<vmem>>, vector<8x256xf32>,
    } else {
    }
    %get3A_38 = arith.constant 0 : index
    %get3A_39 = arith.constant 0 : index
    %get3A_40 = vector.load %arg8[%get3A_38, %get3A_39] : memref<8x256xf32, #tpu.memory_space<vmem>>, vector<1x256xf32>
    %reduce_sum3A = arith.constant dense<0.000000e+00> : vector<256xf32>
    %reduce_sum3A_41 = vector.multi_reduction <add>, %dot_general3A_34, %reduce_sum3A [0] : vector<2048x256xf32> to vector<256xf32>
    %broadcast_in_dim3A = vector.shape_cast %reduce_sum3A_41 : vector<256xf32> to vector<1x256xf32>
    %add3A_42 = arith.addf %get3A_40, %broadcast_in_dim3A : vector<1x256xf32>
    %swap3A = arith.constant 0 : index
    %swap3A_43 = arith.constant 0 : index
    %swap3A_44 = vector.load %arg8[%swap3A, %swap3A_43] : memref<8x256xf32, #tpu.memory_space<vmem>>, vector<1x256xf32>
    tpu.vector_store %arg8[%swap3A, %swap3A_43], %add3A_42 {strides = array<i32>} : memref<8x256xf32, #tpu.memory_space<vmem>>, vector<1x256xf32>,
    %get3A_45 = arith.constant 1 : index
    %get3A_46 = arith.constant 0 : index
    %get3A_47 = vector.load %arg8[%get3A_45, %get3A_46] : memref<8x256xf32, #tpu.memory_space<vmem>>, vector<1x256xf32>
    %mul3A_48 = arith.mulf %dot_general3A_34, %dot_general3A_34 : vector<2048x256xf32>
    %reduce_sum3A_49 = arith.constant dense<0.000000e+00> : vector<256xf32>
    %reduce_sum3A_50 = vector.multi_reduction <add>, %mul3A_48, %reduce_sum3A_49 [0] : vector<2048x256xf32> to vector<256xf32>
    %broadcast_in_dim3A_51 = vector.shape_cast %reduce_sum3A_50 : vector<256xf32> to vector<1x256xf32>
    %add3A_52 = arith.addf %get3A_47, %broadcast_in_dim3A_51 : vector<1x256xf32>
    %swap3A_53 = arith.constant 1 : index
    %swap3A_54 = arith.constant 0 : index
    %swap3A_55 = vector.load %arg8[%swap3A_53, %swap3A_54] : memref<8x256xf32, #tpu.memory_space<vmem>>, vector<1x256xf32>
    tpu.vector_store %arg8[%swap3A_53, %swap3A_54], %add3A_52 {strides = array<i32>} : memref<8x256xf32, #tpu.memory_space<vmem>>, vector<1x256xf32>,
    %reshape3A = vector.shape_cast %dot_general3A_34 : vector<2048x256xf32> to vector<64x32x256xf32>
    %reduce_max3A = arith.constant dense<0xFF800000> : vector<64x256xf32>
    %reduce_max3A_56 = vector.multi_reduction <maximumf>, %reshape3A, %reduce_max3A [1] : vector<64x32x256xf32> to vector<64x256xf32>
    %swap3A_57 = arith.constant 0 : index
    %swap3A_58 = arith.constant 0 : index
    %swap3A_59 = vector.load %arg6[%swap3A_57, %swap3A_58] : memref<64x256xf32, #tpu.memory_space<vmem>>, vector<64x256xf32>
    tpu.vector_store %arg6[%swap3A_57, %swap3A_58], %reduce_max3A_56 {strides = array<i32>} : memref<64x256xf32, #tpu.memory_space<vmem>>, vector<64x256xf32>,
    %reduce_min3A = arith.constant dense<0x7F800000> : vector<64x256xf32>
    %reduce_min3A_60 = vector.multi_reduction <minimumf>, %reshape3A, %reduce_min3A [1] : vector<64x32x256xf32> to vector<64x256xf32>
    %swap3A_61 = arith.constant 0 : index
    %swap3A_62 = arith.constant 0 : index
    %swap3A_63 = vector.load %arg7[%swap3A_61, %swap3A_62] : memref<64x256xf32, #tpu.memory_space<vmem>>, vector<64x256xf32>
    tpu.vector_store %arg7[%swap3A_61, %swap3A_62], %reduce_min3A_60 {strides = array<i32>} : memref<64x256xf32, #tpu.memory_space<vmem>>, vector<64x256xf32>,
    return
  }
  func.func @transform_0(%arg0: i32) -> (i32, i32) {
    %c0_i32 = arith.constant 0 : i32
    %c0_i32_0 = arith.constant 0 : i32
    return %arg0, %c0_i32 : i32, i32
  }
  func.func @transform_1(%arg0: i32) -> (i32, i32) {
    %c0_i32 = arith.constant 0 : i32
    %c0_i32_0 = arith.constant 0 : i32
    %c0_i32_1 = arith.constant 0 : i32
    return %c0_i32, %c0_i32_0 : i32, i32
  }
  func.func @transform_2(%arg0: i32) -> (i32, i32) {
    %c0_i32 = arith.constant 0 : i32
    %c0_i32_0 = arith.constant 0 : i32
    %c0_i32_1 = arith.constant 0 : i32
    return %c0_i32, %c0_i32_0 : i32, i32
  }
  func.func @transform_3(%arg0: i32) -> (i32, i32) {
    %c0_i32 = arith.constant 0 : i32
    %c0_i32_0 = arith.constant 0 : i32
    %c0_i32_1 = arith.constant 0 : i32
    return %c0_i32, %c0_i32_0 : i32, i32
  }
  func.func @transform_4(%arg0: i32) -> (i32, i32) {
    %c0_i32 = arith.constant 0 : i32
    %c0_i32_0 = arith.constant 0 : i32
    %c0_i32_1 = arith.constant 0 : i32
    return %c0_i32, %c0_i32_0 : i32, i32
  }
  func.func @transform_5(%arg0: i32) -> (i32, i32) {
    %c0_i32 = arith.constant 0 : i32
    %c0_i32_0 = arith.constant 0 : i32
    return %arg0, %c0_i32 : i32, i32
  }
  func.func @transform_6(%arg0: i32) -> (i32, i32) {
    %c0_i32 = arith.constant 0 : i32
    %c0_i32_0 = arith.constant 0 : i32
    return %arg0, %c0_i32 : i32, i32
  }
  func.func @transform_7(%arg0: i32) -> (i32, i32) {
    %c0_i32 = arith.constant 0 : i32
    %c0_i32_0 = arith.constant 0 : i32
    %c0_i32_1 = arith.constant 0 : i32
    return %c0_i32, %c0_i32_0 : i32, i32
  }
}

module attributes {stable_mosaic.version = 14 : i64} {
  func.func @_conv1_kernel(%arg0: i32, %arg1: memref<2048x128xf32, #tpu.memory_space<vmem>>, %arg2: memref<64x128xf32, #tpu.memory_space<vmem>>, %arg3: memref<256x256xf32, #tpu.memory_space<vmem>>, %arg4: memref<2048x256xf32, #tpu.memory_space<vmem>>, %arg5: memref<8x256xf32, #tpu.memory_space<vmem>>) attributes {dimension_semantics = [#tpu.dimension_semantics<arbitrary>], iteration_bounds = array<i64: 16>, scalar_prefetch = 0 : i64, scratch_operands = 0 : i64, tpu.core_type = #tpu.core_type<tc>, window_params = [{transform_indices = @transform_0, window_bounds = array<i64: 2048, 128>}, {transform_indices = @transform_1, window_bounds = array<i64: 64, 128>}, {pipeline_mode = #tpu.pipeline_mode<synchronous>, transform_indices = @transform_2, window_bounds = array<i64: 256, 256>}, {transform_indices = @transform_3, window_bounds = array<i64: 2048, 256>}, {pipeline_mode = #tpu.pipeline_mode<synchronous>, transform_indices = @transform_4, window_bounds = array<i64: 8, 256>}]} {
    %get3A = arith.constant 0 : index
    %get3A_0 = arith.constant 0 : index
    %get3A_1 = vector.load %arg3[%get3A, %get3A_0] : memref<256x256xf32, #tpu.memory_space<vmem>>, vector<128x256xf32>
    %get3A_2 = arith.constant 128 : index
    %get3A_3 = arith.constant 0 : index
    %get3A_4 = vector.load %arg3[%get3A_2, %get3A_3] : memref<256x256xf32, #tpu.memory_space<vmem>>, vector<128x256xf32>
    %sub3A = arith.subf %get3A_4, %get3A_1 : vector<128x256xf32>
    %get3A_5 = arith.constant 0 : index
    %get3A_6 = arith.constant 0 : index
    %get3A_7 = vector.load %arg2[%get3A_5, %get3A_6] : memref<64x128xf32, #tpu.memory_space<vmem>>, vector<64x128xf32>
    %dot_general3A = arith.constant dense<0.000000e+00> : vector<64x256xf32>
    %dot_general3A_8 = tpu.matmul %get3A_7, %sub3A, %dot_general3A {dimension_numbers = #tpu.dot_dimension_numbers<[1], [0], [0], [1], [0, 0, 1, 1], [], []>, transpose_lhs_hint = false} : vector<64x128xf32>, vector<128x256xf32>, vector<64x256xf32> -> vector<64x256xf32>
    %iota3A = tpu.iota {dimensions = array<i32: 0>} : vector<2048x64xi32>
    %jit3A = arith.constant 32 : i32
    %div3A = vector.broadcast %jit3A : i32 to vector<2048x64xi32>
    %div3A_9 = arith.divsi %iota3A, %div3A : vector<2048x64xi32>
    %sign3A = arith.constant 0 : i32
    %sign3A_10 = vector.broadcast %sign3A : i32 to vector<2048x64xi32>
    %sign3A_11 = arith.cmpi sgt, %iota3A, %sign3A_10 : vector<2048x64xi32>
    %sign3A_12 = arith.extui %sign3A_11 : vector<2048x64xi1> to vector<2048x64xi32>
    %sign3A_13 = arith.constant 0 : i32
    %sign3A_14 = vector.broadcast %sign3A_13 : i32 to vector<2048x64xi32>
    %sign3A_15 = arith.cmpi slt, %iota3A, %sign3A_14 : vector<2048x64xi32>
    %sign3A_16 = arith.extui %sign3A_15 : vector<2048x64xi1> to vector<2048x64xi32>
    %sign3A_17 = arith.subi %sign3A_12, %sign3A_16 : vector<2048x64xi32>
    %sign3A_18 = arith.constant 0 : i32
    %sign3A_19 = arith.cmpi sgt, %jit3A, %sign3A_18 : i32
    %sign3A_20 = arith.extui %sign3A_19 : i1 to i32
    %sign3A_21 = arith.constant 0 : i32
    %sign3A_22 = arith.cmpi slt, %jit3A, %sign3A_21 : i32
    %sign3A_23 = arith.extui %sign3A_22 : i1 to i32
    %sign3A_24 = arith.subi %sign3A_20, %sign3A_23 : i32
    %ne3A = vector.broadcast %sign3A_24 : i32 to vector<2048x64xi32>
    %ne3A_25 = arith.cmpi ne, %sign3A_17, %ne3A : vector<2048x64xi32>
    %rem3A = vector.broadcast %jit3A : i32 to vector<2048x64xi32>
    %rem3A_26 = arith.remsi %iota3A, %rem3A : vector<2048x64xi32>
    %ne3A_27 = arith.constant 0 : i32
    %ne3A_28 = vector.broadcast %ne3A_27 : i32 to vector<2048x64xi32>
    %ne3A_29 = arith.cmpi ne, %rem3A_26, %ne3A_28 : vector<2048x64xi32>
    %and3A = arith.andi %ne3A_25, %ne3A_29 : vector<2048x64xi1>
    %sub3A_30 = arith.constant 1 : i32
    %sub3A_31 = vector.broadcast %sub3A_30 : i32 to vector<2048x64xi32>
    %sub3A_32 = arith.subi %div3A_9, %sub3A_31 : vector<2048x64xi32>
    %select_n3A = arith.select %and3A, %sub3A_32, %div3A_9 : vector<2048x64xi1>, vector<2048x64xi32>
    %iota3A_33 = tpu.iota {dimensions = array<i32: 1>} : vector<2048x64xi32>
    %eq3A = arith.cmpi eq, %select_n3A, %iota3A_33 : vector<2048x64xi32>
    %convert_element_type3A = arith.extui %eq3A : vector<2048x64xi1> to vector<2048x64xi32>
    %convert_element_type3A_34 = arith.sitofp %convert_element_type3A : vector<2048x64xi32> to vector<2048x64xf32>
    %dot_general3A_35 = arith.constant dense<0.000000e+00> : vector<2048x256xf32>
    %dot_general3A_36 = tpu.matmul %convert_element_type3A_34, %dot_general3A_8, %dot_general3A_35 {dimension_numbers = #tpu.dot_dimension_numbers<[1], [0], [0], [1], [0, 0, 1, 1], [], []>, transpose_lhs_hint = false} : vector<2048x64xf32>, vector<64x256xf32>, vector<2048x256xf32> -> vector<2048x256xf32>
    %get3A_37 = arith.constant 0 : index
    %get3A_38 = arith.constant 0 : index
    %get3A_39 = vector.load %arg1[%get3A_37, %get3A_38] : memref<2048x128xf32, #tpu.memory_space<vmem>>, vector<2048x128xf32>
    %convert_element_type3A_40 = arith.truncf %get3A_39 : vector<2048x128xf32> to vector<2048x128xbf16>
    %convert_element_type3A_41 = arith.truncf %get3A_1 : vector<128x256xf32> to vector<128x256xbf16>
    %dot_general3A_42 = arith.constant dense<0.000000e+00> : vector<2048x256xf32>
    %dot_general3A_43 = tpu.matmul %convert_element_type3A_40, %convert_element_type3A_41, %dot_general3A_42 {dimension_numbers = #tpu.dot_dimension_numbers<[1], [0], [0], [1], [0, 0, 1, 1], [], []>, transpose_lhs_hint = false} : vector<2048x128xbf16>, vector<128x256xbf16>, vector<2048x256xf32> -> vector<2048x256xf32>
    %add3A = arith.addf %dot_general3A_43, %dot_general3A_36 : vector<2048x256xf32>
    %swap3A = arith.constant 0 : index
    %swap3A_44 = arith.constant 0 : index
    %swap3A_45 = vector.load %arg4[%swap3A, %swap3A_44] : memref<2048x256xf32, #tpu.memory_space<vmem>>, vector<2048x256xf32>
    tpu.vector_store %arg4[%swap3A, %swap3A_44], %add3A {strides = array<i32>} : memref<2048x256xf32, #tpu.memory_space<vmem>>, vector<2048x256xf32>,
    %eq3A_46 = arith.constant 0 : i32
    %eq3A_47 = arith.cmpi eq, %arg0, %eq3A_46 : i32
    %convert_element_type3A_48 = arith.extui %eq3A_47 : i1 to i32
    %cond3A = arith.constant 0 : i32
    %cond3A_49 = arith.cmpi ne, %convert_element_type3A_48, %cond3A : i32
    scf.if %cond3A_49 {
      %broadcast_in_dim3A_68 = arith.constant 0.000000e+00 : f32
      %broadcast_in_dim3A_69 = vector.broadcast %broadcast_in_dim3A_68 : f32 to vector<8x256xf32>
      %swap3A_70 = arith.constant 0 : index
      %swap3A_71 = arith.constant 0 : index
      %swap3A_72 = vector.load %arg5[%swap3A_70, %swap3A_71] : memref<8x256xf32, #tpu.memory_space<vmem>>, vector<8x256xf32>
      tpu.vector_store %arg5[%swap3A_70, %swap3A_71], %broadcast_in_dim3A_69 {strides = array<i32>} : memref<8x256xf32, #tpu.memory_space<vmem>>, vector<8x256xf32>,
    } else {
    }
    %get3A_50 = arith.constant 0 : index
    %get3A_51 = arith.constant 0 : index
    %get3A_52 = vector.load %arg5[%get3A_50, %get3A_51] : memref<8x256xf32, #tpu.memory_space<vmem>>, vector<1x256xf32>
    %reduce_sum3A = arith.constant dense<0.000000e+00> : vector<256xf32>
    %reduce_sum3A_53 = vector.multi_reduction <add>, %add3A, %reduce_sum3A [0] : vector<2048x256xf32> to vector<256xf32>
    %broadcast_in_dim3A = vector.shape_cast %reduce_sum3A_53 : vector<256xf32> to vector<1x256xf32>
    %add3A_54 = arith.addf %get3A_52, %broadcast_in_dim3A : vector<1x256xf32>
    %swap3A_55 = arith.constant 0 : index
    %swap3A_56 = arith.constant 0 : index
    %swap3A_57 = vector.load %arg5[%swap3A_55, %swap3A_56] : memref<8x256xf32, #tpu.memory_space<vmem>>, vector<1x256xf32>
    tpu.vector_store %arg5[%swap3A_55, %swap3A_56], %add3A_54 {strides = array<i32>} : memref<8x256xf32, #tpu.memory_space<vmem>>, vector<1x256xf32>,
    %get3A_58 = arith.constant 1 : index
    %get3A_59 = arith.constant 0 : index
    %get3A_60 = vector.load %arg5[%get3A_58, %get3A_59] : memref<8x256xf32, #tpu.memory_space<vmem>>, vector<1x256xf32>
    %mul3A = arith.mulf %add3A, %add3A : vector<2048x256xf32>
    %reduce_sum3A_61 = arith.constant dense<0.000000e+00> : vector<256xf32>
    %reduce_sum3A_62 = vector.multi_reduction <add>, %mul3A, %reduce_sum3A_61 [0] : vector<2048x256xf32> to vector<256xf32>
    %broadcast_in_dim3A_63 = vector.shape_cast %reduce_sum3A_62 : vector<256xf32> to vector<1x256xf32>
    %add3A_64 = arith.addf %get3A_60, %broadcast_in_dim3A_63 : vector<1x256xf32>
    %swap3A_65 = arith.constant 1 : index
    %swap3A_66 = arith.constant 0 : index
    %swap3A_67 = vector.load %arg5[%swap3A_65, %swap3A_66] : memref<8x256xf32, #tpu.memory_space<vmem>>, vector<1x256xf32>
    tpu.vector_store %arg5[%swap3A_65, %swap3A_66], %add3A_64 {strides = array<i32>} : memref<8x256xf32, #tpu.memory_space<vmem>>, vector<1x256xf32>,
    return
  }
  func.func @transform_0(%arg0: i32) -> (i32, i32) {
    %c0_i32 = arith.constant 0 : i32
    %c0_i32_0 = arith.constant 0 : i32
    return %arg0, %c0_i32 : i32, i32
  }
  func.func @transform_1(%arg0: i32) -> (i32, i32) {
    %c0_i32 = arith.constant 0 : i32
    %c0_i32_0 = arith.constant 0 : i32
    return %arg0, %c0_i32 : i32, i32
  }
  func.func @transform_2(%arg0: i32) -> (i32, i32) {
    %c0_i32 = arith.constant 0 : i32
    %c0_i32_0 = arith.constant 0 : i32
    %c0_i32_1 = arith.constant 0 : i32
    return %c0_i32, %c0_i32_0 : i32, i32
  }
  func.func @transform_3(%arg0: i32) -> (i32, i32) {
    %c0_i32 = arith.constant 0 : i32
    %c0_i32_0 = arith.constant 0 : i32
    return %arg0, %c0_i32 : i32, i32
  }
  func.func @transform_4(%arg0: i32) -> (i32, i32) {
    %c0_i32 = arith.constant 0 : i32
    %c0_i32_0 = arith.constant 0 : i32
    %c0_i32_1 = arith.constant 0 : i32
    return %c0_i32, %c0_i32_0 : i32, i32
  }
}

module attributes {stable_mosaic.version = 14 : i64} {
  func.func @_bn2_kernel(%arg0: memref<1024x256xf32, #tpu.memory_space<vmem>>, %arg1: memref<1024x256xf32, #tpu.memory_space<vmem>>, %arg2: memref<8x256xf32, #tpu.memory_space<vmem>>, %arg3: memref<1x256xf32, #tpu.memory_space<vmem>>, %arg4: memref<1x256xf32, #tpu.memory_space<vmem>>, %arg5: memref<1024x256xf32, #tpu.memory_space<vmem>>) attributes {dimension_semantics = [], scalar_prefetch = 0 : i64, scratch_operands = 0 : i64, tpu.core_type = #tpu.core_type<tc>} {
    %get3A = arith.constant 0 : index
    %get3A_0 = arith.constant 0 : index
    %get3A_1 = vector.load %arg2[%get3A, %get3A_0] : memref<8x256xf32, #tpu.memory_space<vmem>>, vector<1x256xf32>
    %mul3A = arith.constant 3.05175781E-5 : f32
    %mul3A_2 = vector.broadcast %mul3A : f32 to vector<1x256xf32>
    %mul3A_3 = arith.mulf %get3A_1, %mul3A_2 : vector<1x256xf32>
    %get3A_4 = arith.constant 1 : index
    %get3A_5 = arith.constant 0 : index
    %get3A_6 = vector.load %arg2[%get3A_4, %get3A_5] : memref<8x256xf32, #tpu.memory_space<vmem>>, vector<1x256xf32>
    %mul3A_7 = arith.constant 3.05175781E-5 : f32
    %mul3A_8 = vector.broadcast %mul3A_7 : f32 to vector<1x256xf32>
    %mul3A_9 = arith.mulf %get3A_6, %mul3A_8 : vector<1x256xf32>
    %mul3A_10 = arith.mulf %mul3A_3, %mul3A_3 : vector<1x256xf32>
    %sub3A = arith.subf %mul3A_9, %mul3A_10 : vector<1x256xf32>
    %get3A_11 = arith.constant 0 : index
    %get3A_12 = arith.constant 0 : index
    %get3A_13 = vector.load %arg3[%get3A_11, %get3A_12] : memref<1x256xf32, #tpu.memory_space<vmem>>, vector<1x256xf32>
    %add3A = arith.constant 9.99999974E-6 : f32
    %add3A_14 = vector.broadcast %add3A : f32 to vector<1x256xf32>
    %add3A_15 = arith.addf %sub3A, %add3A_14 : vector<1x256xf32>
    %sqrt3A = math.sqrt %add3A_15 : vector<1x256xf32>
    %div3A = arith.divf %get3A_13, %sqrt3A : vector<1x256xf32>
    %get3A_16 = arith.constant 0 : index
    %get3A_17 = arith.constant 0 : index
    %get3A_18 = vector.load %arg4[%get3A_16, %get3A_17] : memref<1x256xf32, #tpu.memory_space<vmem>>, vector<1x256xf32>
    %mul3A_19 = arith.mulf %mul3A_3, %div3A : vector<1x256xf32>
    %sub3A_20 = arith.subf %get3A_18, %mul3A_19 : vector<1x256xf32>
    %ge3A = arith.constant 0.000000e+00 : f32
    %ge3A_21 = vector.broadcast %ge3A : f32 to vector<1x256xf32>
    %ge3A_22 = arith.cmpf oge, %div3A, %ge3A_21 : vector<1x256xf32>
    %get3A_23 = arith.constant 0 : index
    %get3A_24 = arith.constant 0 : index
    %get3A_25 = vector.load %arg0[%get3A_23, %get3A_24] : memref<1024x256xf32, #tpu.memory_space<vmem>>, vector<1024x256xf32>
    %get3A_26 = arith.constant 0 : index
    %get3A_27 = arith.constant 0 : index
    %get3A_28 = vector.load %arg1[%get3A_26, %get3A_27] : memref<1024x256xf32, #tpu.memory_space<vmem>>, vector<1024x256xf32>
    %broadcast_in_dim3A = vector.shape_cast %ge3A_22 : vector<1x256xi1> to vector<1x256xi1>
    %broadcast_in_dim3A_29 = vector.broadcast %broadcast_in_dim3A : vector<1x256xi1> to vector<1024x256xi1>
    %select_n3A = arith.select %broadcast_in_dim3A_29, %get3A_25, %get3A_28 : vector<1024x256xi1>, vector<1024x256xf32>
    %mul3A_30 = vector.broadcast %div3A : vector<1x256xf32> to vector<1024x256xf32>
    %mul3A_31 = arith.mulf %select_n3A, %mul3A_30 : vector<1024x256xf32>
    %add3A_32 = vector.broadcast %sub3A_20 : vector<1x256xf32> to vector<1024x256xf32>
    %add3A_33 = arith.addf %mul3A_31, %add3A_32 : vector<1024x256xf32>
    %max3A = arith.constant 0.000000e+00 : f32
    %max3A_34 = vector.broadcast %max3A : f32 to vector<1024x256xf32>
    %max3A_35 = arith.maximumf %add3A_33, %max3A_34 : vector<1024x256xf32>
    %swap3A = arith.constant 0 : index
    %swap3A_36 = arith.constant 0 : index
    %swap3A_37 = vector.load %arg5[%swap3A, %swap3A_36] : memref<1024x256xf32, #tpu.memory_space<vmem>>, vector<1024x256xf32>
    tpu.vector_store %arg5[%swap3A, %swap3A_36], %max3A_35 {strides = array<i32>} : memref<1024x256xf32, #tpu.memory_space<vmem>>, vector<1024x256xf32>,
    return
  }
}

</mosaic_0001>

<sc_bundles>
// kernel: kernel.8.cloned.1.call-start
scs
__scs_entry_jumppad:
0x0: {  	(pc) =	sbr.rel $0x88, $3  }
0x1: {  	(tag) =	ssettag $0x0;
	lr =	simm.s32 $0x1  }
0x2: {  	[smem:$0x3F99] =	sst lr;
	_ =	strace $0xD0000000  }
0x3: {  	_ = 	snop  }
0x4: {  	_ = 	snop  }
0x5: {  	_ = 	snop  }
0x6: {  	_ = 	snop  }
0x7: {  	_ = 	snop  }
__scs_overlays_trampoline_lowered:
0x8: {  	[smem:$0x3FA8] =	sst s0  }
0x9: {  	[smem:$0x3FA9] =	sst s1  }
0xa: {  	[smem:$0x3FAA] =	sst s2  }
0xb: {  	[smem:$0x3FAB] =	sst s3  }
0xc: {  	[smem:$0x3FAC] =	sst s4  }
0xd: {  	[smem:$0x3FAD] =	sst s5  }
0xe: {  	[smem:$0x3FAE] =	sst s6  }
0xf: {  	[smem:$0x3FAF] =	sst s7  }
0x10: {  	[smem:$0x3FB0] =	sst s8  }
0x11: {  	[smem:$0x3FB1] =	sst s9;
	s0 =	simm.s32 @!p0 $0x0  }
0x12: {  	s1 =	sld [smem:$0x3F97];
	s0 =	simm.s32 @p0 $0x1  }
0x13: {  	[smem:$0x3FB2] =	sst s0;
	s0 =	simm.s32 @!p1 $0x0  }
0x14: {  	s2 =	sld [smem:$0x3F96];
	s0 =	simm.s32 @p1 $0x1  }
0x15: {  	[smem:$0x3FB3] =	sst s0;
	s0 =	simm.s32 @!p2 $0x0  }
0x16: {  	s3 =	sld [smem:$0x3FDB];
	s0 =	simm.s32 @p2 $0x1  }
0x17: {  	s4 =	simm.s32 $0x1BF5;
	[smem:$0x3FB5] =	sst s0  }
0x18: {  	s0 =	sld [smem:$0x3F98];
	_ =	swait.ge [sflag:s4], $0x0  }
0x19: {  	s7 =	sld [smem:$0x3F99]  }
0x1a: {  	s8 =	sadd.s32 $0xFFFFE003, lr  }
0x1b: {  	s9 =	sadd.s32 $0xFFFFFEF7, lr;
	s5 =	simm.s32 $0xFFFFFFFF;
	p2 =	slt.u32 s8, $0xFFFFF086  }
0x1c: {  	p1 =	slt.u32 s9, $0xF7A;
	s5 =	simm.s32 @!p2 $0x0  }
0x1d: {  	s5 =	simm.s32 @p1 $0x1;
	p0 =	seq.s32 s7, s2  }
0x1e: {  	s7 =	smul.u32 @!p0 $0xF7A, s2;
	p2 =	seq.s32 @!p0 s5, $0x0  }
0x1f: {  	s9 =	smul.u32 $0xF7A, s1;
	s8 =	simm.s32 @!p0 $0x1BF5;
	p2 =	por !p2, p0  }
0x20: {  	[sflag:s8] =	ssyncset.s32 @!p0 $0xFFFFF086;
	s6 =	sadd.s32 @!p0 s3, s7;
	s7 =	simm.s32 @!p0 $0x108  }
0x21: {  	s3 =	sadd.s32 s3, s9;
	s6 =	sadd.s32 @!p0 $0x88, s6;
	s7 =	simm.s32 @p2 $0x1082  }
0x22: {  	[simem:s7], [sflag:s8] =	dma.local @!p0 [hbm:s6], $0xF7A  }
0x23: {  	s9 =	sor.u32 $0xD0000000, s2;
	s6 =	simm.s32 $0x108;
	_ =	swait.ge @!p0 [sflag:s8], $0x0  }
0x24: {  	s3 =	sadd.s32 $0x88, s3;
	s6 =	simm.s32 @!p1 $0x1082;
	[sflag:s4] =	ssyncset.s32 $0xFFFFF086  }
0x25: {  	[simem:s6], [sflag:s4] =	dma.local [hbm:s3], $0xF7A  }
0x26: {  	[smem:$0x3F99] =	sst s1;
	(tag) =	ssettag s2;
	_ =	strace s9  }
0x27: {  	s1 =	sld [smem:$0x3FA9]  }
0x28: {  	s2 =	sld [smem:$0x3FAA]  }
0x29: {  	s4 =	sld [smem:$0x3FAC]  }
0x2a: {  	p0 =	seq.s32 s5, $0x0;
	s5 =	sld [smem:$0x3FAD]  }
0x2b: {  	s6 =	sld [smem:$0x3FAE]  }
0x2c: {  	s7 =	sld [smem:$0x3FAF]  }
0x2d: {  	s3 =	simm.s32 $0x108;
	s8 =	sld [smem:$0x3FB0]  }
0x2e: {  	s3 =	simm.s32 @!p0 $0x1082;
	s9 =	sld [smem:$0x3FB1]  }
0x2f: {  	lr =	sadd.s32 s0, s3;
	s0 =	sld [smem:$0x3FA8]  }
0x30: {  	s3 =	sld [smem:$0x3FAB]  }
0x31: {  	[smem:$0x3FB4] =	sst s10  }
0x32: {  	s10 =	sld [smem:$0x3FB2];
	_ =	sdelay $0x3  }
0x33: {  	p0 =	seq.s32 s10, $0x1;
	s10 =	sld [smem:$0x3FB4];
	_ =	sdelay $0x3  }
0x34: {  	[smem:$0x3FB4] =	sst s10  }
0x35: {  	s10 =	sld [smem:$0x3FB3];
	_ =	sdelay $0x3  }
0x36: {  	p1 =	seq.s32 s10, $0x1;
	s10 =	sld [smem:$0x3FB4];
	_ =	sdelay $0x3  }
0x37: {  	[smem:$0x3FB4] =	sst s10  }
0x38: {  	s10 =	sld [smem:$0x3FB5]  }
0x39: {  	_ = 	snop;
	(pc) =	sbr.ind lr, $3  }
0x3a: {  	_ = 	snop  }
0x3b: {  	_ = 	snop  }
0x3c: {  	p2 =	seq.s32 s10, $0x1;
	s10 =	sld [smem:$0x3FB4]  }
0x3d: {  	_ =	shalt  }
0x3e: {  	_ =	shalt  }
0x3f: {  	_ =	shalt  }
0x40: {  	_ =	shalt  }
0x41: {  	_ =	shalt  }
0x42: {  	_ =	shalt  }
0x43: {  	_ =	shalt  }
0x44: {  	_ =	shalt  }
0x45: {  	_ =	shalt  }
0x46: {  	_ =	shalt  }
0x47: {  	_ =	shalt  }
0x48: {  	_ =	shalt  }
0x49: {  	_ =	shalt  }
0x4a: {  	_ =	shalt  }
0x4b: {  	_ =	shalt  }
0x4c: {  	_ =	shalt  }
0x4d: {  	_ =	shalt  }
0x4e: {  	_ =	shalt  }
0x4f: {  	_ =	shalt  }
0x50: {  	_ =	shalt  }
0x51: {  	_ =	shalt  }
0x52: {  	_ =	shalt  }
0x53: {  	_ =	shalt  }
0x54: {  	_ =	shalt  }
0x55: {  	_ =	shalt  }
0x56: {  	_ =	shalt  }
0x57: {  	_ =	shalt  }
0x58: {  	_ =	shalt  }
0x59: {  	_ =	shalt  }
0x5a: {  	_ =	shalt  }
0x5b: {  	_ =	shalt  }
0x5c: {  	_ =	shalt  }
0x5d: {  	_ =	shalt  }
0x5e: {  	_ =	shalt  }
0x5f: {  	_ =	shalt  }
0x60: {  	_ =	shalt  }
0x61: {  	_ =	shalt  }
0x62: {  	_ =	shalt  }
0x63: {  	_ =	shalt  }
0x64: {  	_ =	shalt  }
0x65: {  	_ =	shalt  }
0x66: {  	_ =	shalt  }
0x67: {  	_ =	shalt  }
0x68: {  	_ =	shalt  }
0x69: {  	_ =	shalt  }
0x6a: {  	_ =	shalt  }
0x6b: {  	_ =	shalt  }
0x6c: {  	_ =	shalt  }
0x6d: {  	_ =	shalt  }
0x6e: {  	_ =	shalt  }
0x6f: {  	_ =	shalt  }
0x70: {  	_ =	shalt  }
0x71: {  	_ =	shalt  }
0x72: {  	_ =	shalt  }
0x73: {  	_ =	shalt  }
0x74: {  	_ =	shalt  }
0x75: {  	_ =	shalt  }
0x76: {  	_ =	shalt  }
0x77: {  	_ =	shalt  }
0x78: {  	_ =	shalt  }
0x79: {  	_ =	shalt  }
0x7a: {  	_ =	shalt  }
0x7b: {  	_ =	shalt  }
0x7c: {  	_ =	shalt  }
0x7d: {  	_ =	shalt  }
0x7e: {  	_ =	shalt  }
0x7f: {  	_ =	shalt  }
0x80: {  	_ =	shalt  }
0x81: {  	_ =	shalt  }
0x82: {  	_ =	shalt  }
0x83: {  	_ =	shalt  }
0x84: {  	_ =	shalt  }
0x85: {  	_ =	shalt  }
0x86: {  	_ =	shalt  }
0x87: {  	_ =	shalt  }
.Lfunc_end0:
.L_simem_size_0:
called_computation_lowered:
.L_overlay_start_0:
0x88: {  	s2 =	sld [smem:$0x3FD9]  }
0x89: {  	s3 =	sld [smem:$0x3FFE];
	_ =	sdelay $0x1  }
0x8a: {  	s1 =	srdreg.scid  }
0x8b: {  	s0 =	sand.u32 $0x1, s1  }
0x8c: {  	s14 =	sshll.u32 s0, $0xA;
	s2 =	sadd.s32 s3, s2  }
0x8d: {  	s2 =	sadd.s32 s2, s14  }
0x8e: {  	[smem:$0x3FC0] =	sst s2  }
0x8f: {  	_ = 	snop  }
0x90: {  	s2 =	sld [smem:$0x3FD0];
	_ =	sdelay $0x2  }
0x91: {  	s15 =	simm.s32 $0xA;
	s4 =	simm.s32 $0x10  }
0x92: {  	[smem:s4], [sflag:s15] =	dma.local [hbm:s2], $0x1  }
0x93: {  	_ =	swait.eq [sflag:s15], $0x1  }
0x94: {  	[sflag:s15] =	ssyncset.done $0x0  }
0x95: {  	[sflag:s15] =	ssyncadd.s32 $0xFFFFFFFF  }
0x96: {  	s16 =	sld [smem:$0x11];
	(tm) =	ssettm $0x1  }
0x97: {  	s17 =	sld [smem:$0x3FFB];
	_ =	sdelay $0x3  }
0x98: {  	_ =	strace s17  }
0x99: {  	s3 =	sld [smem:$0x3FFC];
	_ =	sdelay $0x3  }
0x9a: {  	_ =	strace s3  }
0x9b: {  	s3 =	sld [smem:$0x3FFD];
	_ =	sdelay $0x3  }
0x9c: {  	_ =	strace s3  }
0x9d: {  	_ =	strace $0x8FFFFFFF  }
0x9e: {  	s18 =	sld [smem:$0x3FDB];
	_ =	sdelay $0x1  }
0x9f: {  	s19 =	simm.s32 $_scs_section_size  }
0xa0: {  	s5 =	simm.s32 $_size__tile_overlayer_lowered;
	s6 =	simm.s32 $_tile_overlayer_lowered  }
0xa1: {  	s22 =	simm.s32 $0x1BFF;
	s21 =	sshll.u32 s6, $0x1;
	s3 =	sadd.s32 s19, s18  }
0xa2: {  	s7 =	simm.s32 $0x0;
	s20 =	sshll.u32 s5, $0x1;
	s5 =	sadd.s32 s21, s3  }
0xa3: {  	[timem:s7], [sflag:s22] =	dma.local [hbm:s5], s20  }
0xa4: {  	_ =	swait.ge [sflag:s22], s20  }
0xa5: {  	s4 =	ssub.s32 $0x0, s20;
	[sflag:s22] =	ssyncset.done $0x0  }
0xa6: {  	[sflag:s22] =	ssyncadd.s32 s4;
	_ =	sdelay $0x1  }
0xa7: {  	s23 =	simm.s32 $0x1B8B  }
0xa8: {  	_ =	swait.ge [sflag:s23], $0x1  }
0xa9: {  	[sflag:s23] =	ssyncset.done $0x0  }
0xaa: {  	s25 =	simm.s32 $0x1B8E;
	s24 =	sld [smem:$0x3FFE];
	[sflag:s23] =	ssyncadd.s32 $0xFFFFFFFF  }
0xab: {  	s26 =	simm.s32 $execute0_lowered;
	[smem:$0x3FD2] =	sst s25  }
0xac: {  	s5 =	sshll.u32 s26, $0x1;
	_ =	strace $0x80000046;
	[dreg:$0x1] =	wrdreg $0xFFFFFFFF  }
0xad: {  	s28 =	simm.s32 $_size_execute0_lowered;
	s3 =	sadd.s32 s3, s5;
	[dreg:$0x0] =	wrdreg $0x0  }
0xae: {  	s5 =	sshll.u32 s28, $0x1;
	[dreg:$0x2] =	wrdreg s3  }
0xaf: {  	[dreg:$0x3] =	wrdreg s5  }
0xb0: {  	[dreg:$0x4] =	wrdreg $0xC0  }
0xb1: {  	_ =	task [dreg:s7], $0x5FFFF  }
0xb2: {  	[dreg:$0x1] =	wrdreg $0xFFFFFFFF  }
0xb3: {  	[dreg:$0x0] =	wrdreg $0x60  }
0xb4: {  	[dreg:$0x2] =	wrdreg s24  }
0xb5: {  	[dreg:$0x3] =	wrdreg s16  }
0xb6: {  	[dreg:$0x4] =	wrdreg $0x9  }
0xb7: {  	_ =	task.clear_ibuf [dreg:s7], $0x5FFFF;
	_ =	strace $0x90000046  }
0xb8: {  	s29 =	simm.s32 $0x9;
	_ =	strace $0x80000048  }
0xb9: {  	_ =	swait.ge [sflag:s29], $0x1  }
0xba: {  	[sflag:s29] =	ssyncadd.s32 $0xFFFFFFFF  }
0xbb: {  	_ =	strace $0x90000048  }
0xbc: {  	_ =	sfence  }
0xbd: {  	s30 =	sld [smem:$0x0];
	_ =	sdelay $0x2  }
0xbe: {  	s31 =	sshll.u32 s1, $0xD;
	s1 =	sshrl.u32 s1, $0x2  }
0xbf: {  	s3 =	sand.u32 $0x4000, s31;
	s1 =	sadd.s32 s1, s30  }
0xc0: {  	s0 =	sor.u32 s3, s0;
	s1 =	sshll.u32 s1, $0x11  }
0xc1: {  	s0 =	sor.u32 s1, s0  }
0xc2: {  	s0 =	sadd.s32 $0x8F2B, s0  }
0xc3: {  	[sflag:s0] =	ssyncadd.remote.s32 $0x1  }
0xc4: {  	_ =	sfence.sel $0xFFFF  }
0xc5: {  	[dreg:$0x0] =	wrdreg $0xFFFFFFFF;
	(pc) =	sbr.abs _section_cstart, $3  }
0xc6: {  	[dreg:$0x1] =	wrdreg $0xFFFFFFFF  }
0xc7: {  	_ =	task.clear_ibuf [dreg:s7], $0x2FFFF;
	_ =	strace $0x9FFFFFFF  }
0xc8: {  	(tm) =	ssettm $0x7FFFFFFF  }
0xc9: {  	_ =	shalt  }
tec
execute0_lowered:
.L_overlay_start_1:
0x0: {  	(tag) =	ssettag $0x1  }
0x1: {  	s15 =	rddreg [dreg:$0x0]  }
0x2: {  	s1 =	srdreg.scid;
	s0 =	stileid.u32  }
0x3: {  	s19 =	rddreg [dreg:$0x1];
	s17 =	sand.u32 $0x1, s1;
	s3 =	sshll.u32 s0, $0x1  }
0x4: {  	s2 =	simm.s32 $0x0;
	s1 =	rddreg [dreg:$0x2];
	s20 =	sor.u32 s17, s3  }
0x5: {  	[smem:$0x7FF] =	sst s2;
	s13 =	sadd.s32 $0x21E00, s15;
	s3 =	sshll.u32 s20, $0x7  }
0x6: {  	_ =	strace $0x80000047;
	s4 =	sadd.s32 s13, s3;
	s3 =	simm.s32 $0x2  }
0x7: {  	[tilespmem:s2], [sflag:$0x2] =	stream.linear.gather [hbm4b:s4+s2], $0x100, $0x38;
	[tilespmem:$0x9180] =	vst v63  }
0x8: {  	_ =	swait.ge [sflag:s3], $0x100  }
0x9: {  	s6 =	simm.s32 $0x100;
	[sflag:s3] =	ssyncset.done $0x0  }
0xa: {  	s7 =	simm.s32 $0x1;
	s5 =	sadd.s32 $0x1E00, s15;
	[sflag:s3] =	ssyncadd.s32 $0xFFFFFF00  }
0xb: {  	[tilespmem:s6], [sflag:$0x1] =	stream.indirect.gather [hbm4b:s5+s6], $0x80, s2, s6, $0xb8;
	[tilespmem:$0x9180] =	vst v63  }
0xc: {  	_ =	swait.ge [sflag:s7], $0x8000  }
0xd: {  	s14 =	sadd.s32 $0x23000, s15;
	s8 =	sshll.u32 s20, $0xE;
	[sflag:s7] =	ssyncset.done $0x0  }
0xe: {  	s16 =	sshll.u32 s20, $0xA;
	s8 =	sadd.s32 s14, s8;
	[sflag:s7] =	ssyncadd.s32 $0xFFFF8000  }
0xf: {  	[hbm4b:s8+s2] =	stream.linear.scatter [tilespmem:s6], [sflag:$0x2], $0x8000, $0x38;
	[tilespmem:$0x9180] =	vst v63  }
0x10: {  	s10 =	sor.u32 $0x100, s16;
	_ =	swait.ge [sflag:s3], $0x8000  }
0x11: {  	s9 =	sshrl.u32 s10, $0x3;
	[sflag:s3] =	ssyncset.done $0x0  }
0x12: {  	s9 =	sadd.s32 s13, s9;
	[sflag:s3] =	ssyncadd.s32 $0xFFFF8000  }
0x13: {  	[tilespmem:s2], [sflag:$0x2] =	stream.linear.gather [hbm4b:s9+s2], $0x100, $0x38;
	[tilespmem:$0x9180] =	vst v63  }
0x14: {  	_ =	swait.ge [sflag:s3], $0x100  }
0x15: {  	[sflag:s3] =	ssyncset.done $0x0  }
0x16: {  	[sflag:s3] =	ssyncadd.s32 $0xFFFFFF00  }
0x17: {  	[tilespmem:s6], [sflag:$0x1] =	stream.indirect.gather [hbm4b:s5+s6], $0x80, s2, s6, $0xb8;
	[tilespmem:$0x9180] =	vst v63  }
0x18: {  	_ =	swait.ge [sflag:s7], $0x8000  }
0x19: {  	s10 =	sshll.u32 s10, $0x4;
	[sflag:s7] =	ssyncset.done $0x0  }
0x1a: {  	s10 =	sadd.s32 s14, s10;
	[sflag:s7] =	ssyncadd.s32 $0xFFFF8000  }
0x1b: {  	[hbm4b:s10+s2] =	stream.linear.scatter [tilespmem:s6], [sflag:$0x2], $0x8000, $0x38;
	[tilespmem:$0x9180] =	vst v63  }
0x1c: {  	s12 =	sor.u32 $0x200, s16;
	_ =	swait.ge [sflag:s3], $0x8000  }
0x1d: {  	s11 =	sshrl.u32 s12, $0x3;
	[sflag:s3] =	ssyncset.done $0x0  }
0x1e: {  	s11 =	sadd.s32 s13, s11;
	[sflag:s3] =	ssyncadd.s32 $0xFFFF8000  }
0x1f: {  	[tilespmem:s2], [sflag:$0x2] =	stream.linear.gather [hbm4b:s11+s2], $0x100, $0x38;
	[tilespmem:$0x9180] =	vst v63  }
0x20: {  	_ =	swait.ge [sflag:s3], $0x100  }
0x21: {  	[sflag:s3] =	ssyncset.done $0x0  }
0x22: {  	[sflag:s3] =	ssyncadd.s32 $0xFFFFFF00  }
0x23: {  	[tilespmem:s6], [sflag:$0x1] =	stream.indirect.gather [hbm4b:s5+s6], $0x80, s2, s6, $0xb8;
	[tilespmem:$0x9180] =	vst v63  }
0x24: {  	_ =	swait.ge [sflag:s7], $0x8000  }
0x25: {  	s12 =	sshll.u32 s12, $0x4;
	[sflag:s7] =	ssyncset.done $0x0  }
0x26: {  	s12 =	sadd.s32 s14, s12;
	[sflag:s7] =	ssyncadd.s32 $0xFFFF8000  }
0x27: {  	[hbm4b:s12+s2] =	stream.linear.scatter [tilespmem:s6], [sflag:$0x2], $0x8000, $0x38;
	[tilespmem:$0x9180] =	vst v63  }
0x28: {  	s16 =	sor.u32 $0x300, s16;
	_ =	swait.ge [sflag:s3], $0x8000  }
0x29: {  	s18 =	sshrl.u32 s16, $0x3;
	[sflag:s3] =	ssyncset.done $0x0  }
0x2a: {  	s13 =	sadd.s32 s13, s18;
	[sflag:s3] =	ssyncadd.s32 $0xFFFF8000  }
0x2b: {  	[tilespmem:s2], [sflag:$0x2] =	stream.linear.gather [hbm4b:s13+s2], $0x100, $0x38;
	[tilespmem:$0x9180] =	vst v63  }
0x2c: {  	_ =	swait.ge [sflag:s3], $0x100  }
0x2d: {  	[sflag:s3] =	ssyncset.done $0x0  }
0x2e: {  	[sflag:s3] =	ssyncadd.s32 $0xFFFFFF00  }
0x2f: {  	[tilespmem:s6], [sflag:$0x1] =	stream.indirect.gather [hbm4b:s5+s6], $0x80, s2, s6, $0xb8;
	[tilespmem:$0x9180] =	vst v63  }
0x30: {  	_ =	swait.ge [sflag:s7], $0x8000  }
0x31: {  	s16 =	sshll.u32 s16, $0x4;
	[sflag:s7] =	ssyncset.done $0x0  }
0x32: {  	s14 =	sadd.s32 s14, s16;
	[sflag:s7] =	ssyncadd.s32 $0xFFFF8000  }
0x33: {  	[hbm4b:s14+s2] =	stream.linear.scatter [tilespmem:s6], [sflag:$0x2], $0x8000, $0x38;
	[tilespmem:$0x9180] =	vst v63  }
0x34: {  	s30 =	sshll.u32 s20, $0x2;
	_ =	swait.ge [sflag:s3], $0x8000  }
0x35: {  	s21 =	ssub.s32 $0x2, s17;
	s15 =	sadd.s32 s30, s15;
	[sflag:s3] =	ssyncset.done $0x0  }
0x36: {  	s15 =	sadd.s32 $0x22E00, s15;
	s16 =	simm.s32 $0x8100;
	[sflag:s3] =	ssyncadd.s32 $0xFFFF8000  }
0x37: {  	[tilespmem:s16], [sflag:$0x2] =	stream.linear.gather [hbm4b:s15+s2], $0x20, $0x38;
	[tilespmem:$0x9180] =	vst v63  }
0x38: {  	s22 =	sshrl.u32 s21, $0x1;
	_ =	swait.ge [sflag:s3], $0x20  }
0x39: {  	s17 =	simm.s32 $0x20;
	s21 =	ssub.s32 s21, s22;
	[sflag:s3] =	ssyncset.done $0x0  }
0x3a: {  	s31 =	smax.u32 s21, $0x1;
	s18 =	simm.s32 $0x8180;
	[sflag:s3] =	ssyncadd.s32 $0xFFFFFFE0  }
0x3b: {  	[tilespmem:s18], [sflag:$0x1] =	stream.indirect.gather [hbm4b:s5+s17], $0x80, s16, s17, $0xb8;
	[tilespmem:$0x9180] =	vst v63  }
0x3c: {  	p0 =	sne.s32 s31, $0x1;
	_ =	swait.ge [sflag:s7], $0x1000  }
.Ltmp0:
0x3d: {  	s20 =	sshll.u32 s20, $0x9;
	[sflag:s7] =	ssyncset.done $0x0;
	(pc) =	sbr.rel @!p0 .LBB2_2-.Ltmp0, $4  }
0x3e: {  	s19 =	sadd.s32 s19, s20;
	[sflag:s7] =	ssyncadd.s32 $0xFFFFF000  }
0x3f: {  	[hbm4b:s19+s2] =	stream.linear.scatter [tilespmem:s18], [sflag:$0x2], $0x1000, $0x38;
	[tilespmem:$0x9180] =	vst v63  }
0x40: {  	_ =	swait.ge [sflag:s3], $0x1000  }
0x41: {  	s20 =	sadd.s32 $0xFFFFFFFF, s31;
	[sflag:s3] =	ssyncset.done $0x0  }
.LBB2_1:
0x42: {  	p0 =	sne.s32 s20, $0x1;
	s20 =	sadd.s32 $0xFFFFFFFF, s20;
	[sflag:s3] =	ssyncadd.s32 $0xFFFFF000  }
0x43: {  	[tilespmem:s2], [sflag:$0x2] =	stream.linear.gather [hbm4b:s4+s2], $0x100, $0x38;
	[tilespmem:$0x9180] =	vst v63  }
0x44: {  	_ =	swait.ge [sflag:s3], $0x100  }
0x45: {  	[sflag:s3] =	ssyncset.done $0x0  }
0x46: {  	[sflag:s3] =	ssyncadd.s32 $0xFFFFFF00  }
0x47: {  	[tilespmem:s6], [sflag:$0x1] =	stream.indirect.gather [hbm4b:s5+s6], $0x80, s2, s6, $0xb8;
	[tilespmem:$0x9180] =	vst v63  }
0x48: {  	_ =	swait.ge [sflag:s7], $0x8000  }
0x49: {  	[sflag:s7] =	ssyncset.done $0x0  }
0x4a: {  	[sflag:s7] =	ssyncadd.s32 $0xFFFF8000  }
0x4b: {  	[hbm4b:s8+s2] =	stream.linear.scatter [tilespmem:s6], [sflag:$0x2], $0x8000, $0x38;
	[tilespmem:$0x9180] =	vst v63  }
0x4c: {  	_ =	swait.ge [sflag:s3], $0x8000  }
0x4d: {  	[sflag:s3] =	ssyncset.done $0x0  }
0x4e: {  	[sflag:s3] =	ssyncadd.s32 $0xFFFF8000  }
0x4f: {  	[tilespmem:s2], [sflag:$0x2] =	stream.linear.gather [hbm4b:s9+s2], $0x100, $0x38;
	[tilespmem:$0x9180] =	vst v63  }
0x50: {  	_ =	swait.ge [sflag:s3], $0x100  }
0x51: {  	[sflag:s3] =	ssyncset.done $0x0  }
0x52: {  	[sflag:s3] =	ssyncadd.s32 $0xFFFFFF00  }
0x53: {  	[tilespmem:s6], [sflag:$0x1] =	stream.indirect.gather [hbm4b:s5+s6], $0x80, s2, s6, $0xb8;
	[tilespmem:$0x9180] =	vst v63  }
0x54: {  	_ =	swait.ge [sflag:s7], $0x8000  }
0x55: {  	[sflag:s7] =	ssyncset.done $0x0  }
0x56: {  	[sflag:s7] =	ssyncadd.s32 $0xFFFF8000  }
0x57: {  	[hbm4b:s10+s2] =	stream.linear.scatter [tilespmem:s6], [sflag:$0x2], $0x8000, $0x38;
	[tilespmem:$0x9180] =	vst v63  }
0x58: {  	_ =	swait.ge [sflag:s3], $0x8000  }
0x59: {  	[sflag:s3] =	ssyncset.done $0x0  }
0x5a: {  	[sflag:s3] =	ssyncadd.s32 $0xFFFF8000  }
0x5b: {  	[tilespmem:s2], [sflag:$0x2] =	stream.linear.gather [hbm4b:s11+s2], $0x100, $0x38;
	[tilespmem:$0x9180] =	vst v63  }
0x5c: {  	_ =	swait.ge [sflag:s3], $0x100  }
0x5d: {  	[sflag:s3] =	ssyncset.done $0x0  }
0x5e: {  	[sflag:s3] =	ssyncadd.s32 $0xFFFFFF00  }
0x5f: {  	[tilespmem:s6], [sflag:$0x1] =	stream.indirect.gather [hbm4b:s5+s6], $0x80, s2, s6, $0xb8;
	[tilespmem:$0x9180] =	vst v63  }
0x60: {  	_ =	swait.ge [sflag:s7], $0x8000  }
0x61: {  	[sflag:s7] =	ssyncset.done $0x0  }
0x62: {  	[sflag:s7] =	ssyncadd.s32 $0xFFFF8000  }
0x63: {  	[hbm4b:s12+s2] =	stream.linear.scatter [tilespmem:s6], [sflag:$0x2], $0x8000, $0x38;
	[tilespmem:$0x9180] =	vst v63  }
0x64: {  	_ =	swait.ge [sflag:s3], $0x8000  }
0x65: {  	[sflag:s3] =	ssyncset.done $0x0  }
0x66: {  	[sflag:s3] =	ssyncadd.s32 $0xFFFF8000  }
0x67: {  	[tilespmem:s2], [sflag:$0x2] =	stream.linear.gather [hbm4b:s13+s2], $0x100, $0x38;
	[tilespmem:$0x9180] =	vst v63  }
0x68: {  	_ =	swait.ge [sflag:s3], $0x100  }
0x69: {  	[sflag:s3] =	ssyncset.done $0x0  }
0x6a: {  	[sflag:s3] =	ssyncadd.s32 $0xFFFFFF00  }
0x6b: {  	[tilespmem:s6], [sflag:$0x1] =	stream.indirect.gather [hbm4b:s5+s6], $0x80, s2, s6, $0xb8;
	[tilespmem:$0x9180] =	vst v63  }
0x6c: {  	_ =	swait.ge [sflag:s7], $0x8000  }
0x6d: {  	[sflag:s7] =	ssyncset.done $0x0  }
0x6e: {  	[sflag:s7] =	ssyncadd.s32 $0xFFFF8000  }
0x6f: {  	[hbm4b:s14+s2] =	stream.linear.scatter [tilespmem:s6], [sflag:$0x2], $0x8000, $0x38;
	[tilespmem:$0x9180] =	vst v63  }
0x70: {  	_ =	swait.ge [sflag:s3], $0x8000  }
0x71: {  	[sflag:s3] =	ssyncset.done $0x0  }
0x72: {  	[sflag:s3] =	ssyncadd.s32 $0xFFFF8000  }
0x73: {  	[tilespmem:s16], [sflag:$0x2] =	stream.linear.gather [hbm4b:s15+s2], $0x20, $0x38;
	[tilespmem:$0x9180] =	vst v63  }
0x74: {  	_ =	swait.ge [sflag:s3], $0x20  }
0x75: {  	[sflag:s3] =	ssyncset.done $0x0  }
0x76: {  	[sflag:s3] =	ssyncadd.s32 $0xFFFFFFE0  }
0x77: {  	[tilespmem:s18], [sflag:$0x1] =	stream.indirect.gather [hbm4b:s5+s17], $0x80, s16, s17, $0xb8;
	[tilespmem:$0x9180] =	vst v63  }
0x78: {  	_ =	swait.ge [sflag:s7], $0x1000  }
.Ltmp1:
0x79: {  	[sflag:s7] =	ssyncset.done $0x0;
	(pc) =	sbr.rel @p0 .LBB2_1-.Ltmp1, $4  }
0x7a: {  	[sflag:s7] =	ssyncadd.s32 $0xFFFFF000  }
0x7b: {  	[hbm4b:s19+s2] =	stream.linear.scatter [tilespmem:s18], [sflag:$0x2], $0x1000, $0x38;
	[tilespmem:$0x9180] =	vst v63  }
0x7c: {  	_ =	swait.ge [sflag:s3], $0x1000  }
0x7d: {  	[sflag:s3] =	ssyncset.done $0x0  }
.LBB2_2:
0x7e: {  	[sflag:s3] =	ssyncadd.s32 $0xFFFFF000  }
0x7f: {  	_ =	sfence.sel $0x180000  }
0x80: {  	[bflag:$0x0] =	sbarrier.arrive $0xFFFF  }
0x81: {  	p0 =	sne.s32 s0, $0x0;
	_ =	strace $0x90000047  }
0x82: {  	s0 =	sadd.s32 @!p0 $0x100000, s1;
	[bflag:$0x2] =	sbarrier.arrive $0xFFFF  }
0x83: {  	[sflag:s0] =	ssyncadd.tile.s32 @!p0 $0x1;
	_ =	shalt  }
.Lfunc_end2:
_tile_overlayer_lowered:
.L_overlay_start_2:
0x84: {  	(tag) =	ssettag $0x2  }
0x85: {  	s0 =	rddreg [dreg:$0x0];
	s2 =	stileid.u32  }
0x86: {  	s1 =	rddreg [dreg:$0x1];
	p0 =	sne.s32 s2, $0x0  }
0x87: {  	s3 =	rddreg [dreg:$0x2];
	[bflag:$0x3] =	sbarrier.arrive $0xFFFF;
	s2 =	simm.s32 @!p0 $0x1C02  }
0x88: {  	[timem:s3], [sflag:s2] =	dma.local @!p0 [hbm:s0], s1  }
0x89: {  	s0 =	simm.s32 @!p0 $0x2  }
0x8a: {  	_ =	swait.ge @!p0 [sflag:s0], s1  }
0x8b: {  	s1 =	ssub.s32 @!p0 $0x0, s1;
	[sflag:s0] =	ssyncset.done @!p0 $0x0  }
0x8c: {  	[sflag:s0] =	ssyncadd.s32 @!p0 s1  }
0x8d: {  	[bflag:$0x3] =	sbarrier.arrive $0xFFFF  }
0x8e: {  	_ =	shalt  }

</sc_bundles>
